<compile_context>
chip_gen: v7x
topology: tpu7x:2x2x1
jax: 0.10.2.dev20260603
libtpu: 0.0.44.dev20260713+nightly
codegen_flags: <defaults>
</compile_context>

<pallas_src>
import jax
import jax.numpy as jnp
from jax import lax
from jax.experimental import pallas as pl
from jax.experimental.pallas import tpu as pltpu
from jax.experimental.pallas import tpu_sc as plsc

VOCAB = 100000
EMBED_DIM = 64
CONTEXT = 200
HIDDEN = 128
VTILE = 25000
NT = VOCAB // VTILE


_NC = 2
_BPW = 8
_ACTIVE = CONTEXT // _BPW


def _gather_body(idx_hbm, table_hbm, b2_hbm, out_hbm, b2out_hbm,
                 idx_v, grp_v, cols_v, b2_v, sem):
    wid = lax.axis_index("s") * _NC + lax.axis_index("c")

    @pl.when(wid >= 28)
    def _():
        r = wid - 28
        pltpu.sync_copy(b2_hbm.at[pl.ds(r * VTILE, VTILE)], b2_v)
        pltpu.sync_copy(b2_v, b2out_hbm.at[r])

    @pl.when(wid < _ACTIVE)
    def _():
        base = wid * _BPW
        sw = pl.multiple_of(jnp.minimum(base, CONTEXT - 16), 8)
        off = base - sw
        pltpu.sync_copy(idx_hbm.at[pl.ds(sw, 16)], idx_v)
        iota16 = lax.iota(jnp.int32, 16)

        def _fire(j, _):
            vj = plsc.load_gather(idx_v, [iota16 * 0 + (off + j)])[0]
            start = pl.multiple_of((vj // 128) * 128, 128)
            for d in range(EMBED_DIM // 8):
                pltpu.async_copy(
                    table_hbm.at[pl.ds(d * 8, 8), pl.ds(start, 128)],
                    grp_v.at[j, pl.ds(d * 8, 8)], sem)
            return 0

        lax.fori_loop(0, _BPW, _fire, 0)

        def _drain(j, _):
            pltpu.make_async_copy(
                table_hbm.at[pl.ds(0, 64), pl.ds(0, 128)], grp_v.at[j],
                sem).wait()
            return 0

        lax.fori_loop(0, _BPW, _drain, 0)

        def _select(j, _):
            vj = plsc.load_gather(idx_v, [iota16 * 0 + (off + j)])[0]
            r = iota16 * 0 + (vj % 128)
            jv = iota16 * 0 + j
            for a in range(EMBED_DIM // 16):
                rows = iota16 + a * 16
                val = plsc.load_gather(grp_v, [jv, rows, r])
                cols_v[pl.ds(j * EMBED_DIM + a * 16, 16)] = val
            return 0

        lax.fori_loop(0, _BPW, _select, 0)
        pltpu.sync_copy(cols_v,
                        out_hbm.at[0, pl.ds(wid * _BPW * EMBED_DIM,
                                            _BPW * EMBED_DIM)])


def _sc_gather(idx, table_t, b2):
    mesh = plsc.VectorSubcoreMesh(core_axis_name="c", subcore_axis_name="s")
    k = pl.kernel(
        _gather_body,
        mesh=mesh,
        out_type=(
            jax.ShapeDtypeStruct((1, CONTEXT * EMBED_DIM), jnp.float32),
            jax.ShapeDtypeStruct((NT, VTILE), jnp.float32),
        ),
        scratch_types=[
            pltpu.VMEM((16,), jnp.int32),
            pltpu.VMEM((_BPW, EMBED_DIM, 128), jnp.float32),
            pltpu.VMEM((_BPW * EMBED_DIM,), jnp.float32),
            pltpu.VMEM((VTILE,), jnp.float32),
            pltpu.SemaphoreType.DMA,
        ],
        compiler_params=pltpu.CompilerParams(needs_layout_passes=False),
    )
    return k(idx, table_t, b2)




def _mlp_body(emb_ref, w1_ref, b1_ref, w2_ref, b2_ref, out_ref, h_ref):
    i = pl.program_id(0)

    @pl.when(i == 0)
    def _():
        h = lax.dot_general(
            emb_ref[...], w1_ref[...], (((1,), (1,)), ((), ())),
            preferred_element_type=jnp.float32)
        h_ref[...] = jnp.maximum(h + b1_ref[...], 0.0)

    @pl.when(i < NT)
    def _():
        t = lax.dot_general(
            h_ref[...], w2_ref[...], (((1,), (1,)), ((), ())),
            preferred_element_type=jnp.float32)
        out_ref[pl.ds(i, 1), :] = t

    @pl.when(i == NT)
    def _():
        a = out_ref[...] + b2_ref[...]
        m = jnp.max(jnp.max(a, axis=1, keepdims=True), axis=0, keepdims=True)
        e = jnp.exp(a - m)
        s = jnp.sum(jnp.sum(e, axis=1, keepdims=True), axis=0, keepdims=True)
        out_ref[...] = a - (m + jnp.log(s))


def _mlp(emb_flat, W1, b1_2d, W2, b2_2d):
    return pl.pallas_call(
        _mlp_body,
        grid=(NT + 1,),
        in_specs=[
            pl.BlockSpec((1, CONTEXT * EMBED_DIM), lambda i: (0, 0)),
            pl.BlockSpec((HIDDEN, CONTEXT * EMBED_DIM), lambda i: (0, 0)),
            pl.BlockSpec((1, HIDDEN), lambda i: (0, 0)),
            pl.BlockSpec((VTILE, HIDDEN), lambda i: (jnp.minimum(i, NT - 1), 0)),
            pl.BlockSpec((NT, VTILE), lambda i: (0, 0)),
        ],
        out_specs=pl.BlockSpec((NT, VTILE), lambda i: (0, 0)),
        out_shape=jax.ShapeDtypeStruct((NT, VTILE), jnp.float32),
        scratch_shapes=[
            pltpu.VMEM((1, HIDDEN), jnp.float32),
        ],
    )(emb_flat, W1, b1_2d, W2, b2_2d)


def kernel(inputs, emb, W1, b1, W2, b2):
    emb_flat, b2_2d = _sc_gather(inputs, emb.T, b2)
    out = _mlp(emb_flat, W1, b1.reshape(1, HIDDEN), W2, b2_2d)
    return out.reshape(1, VOCAB)

# --- scband reference (transcript-rebuilt; emitter-appended) ---
"""Pipeline reference for scband-ngram-language-modeler-37701222924515 (READ-ONLY COPY).

The authoritative reference and input builder live on the scoring server;
editing this copy changes nothing except your own understanding.
"""

import jax, jax.numpy as jnp
import numpy as np

VOCAB = 100000
EMBED_DIM = 64
CONTEXT = 200
HIDDEN = 128


def setup_inputs(seed: int = 0) -> dict:
    key = jax.random.key(seed)
    k_idx, k_emb, k_w1, k_b1, k_w2, k_b2 = jax.random.split(key, 6)
    inputs = jax.random.randint(k_idx, (CONTEXT,), 0, VOCAB, dtype=jnp.int64 if jax.config.jax_enable_x64 else jnp.int32).astype(jnp.int32)
    emb = jax.random.normal(k_emb, (VOCAB, EMBED_DIM), dtype=jnp.float32) * 0.02
    W1 = jax.random.normal(k_w1, (HIDDEN, CONTEXT * EMBED_DIM), dtype=jnp.float32) * 0.02
    b1 = jax.random.normal(k_b1, (HIDDEN,), dtype=jnp.float32) * 0.02
    W2 = jax.random.normal(k_w2, (VOCAB, HIDDEN), dtype=jnp.float32) * 0.02
    b2 = jax.random.normal(k_b2, (VOCAB,), dtype=jnp.float32) * 0.02
    return {"inputs": inputs, "emb": emb, "W1": W1, "b1": b1, "W2": W2, "b2": b2}


def reference(inputs, emb, W1, b1, W2, b2):
    # embeddings lookup (SparseCore gather) then flatten to [1, context*dim]
    embeds = jnp.take(emb, inputs, axis=0).reshape(1, -1)
    h = jax.nn.relu(embeds @ W1.T + b1)
    out = h @ W2.T + b2
    log_prob = jax.nn.log_softmax(out, axis=-1)
    return log_prob

if __name__ == "__main__":
    import jax
    _d = setup_inputs()
    print(jax.jit(kernel)(*tuple(_d.values())))

</pallas_src>

<mosaic_0001>
#map = affine_map<(d0, d1) -> (0)>
#map1 = affine_map<(d0, d1) -> (0, 0)>
module attributes {stable_mosaic.version = 14 : i64} {
  func.func @_gather_body(%arg0: i32, %arg1: i32, %arg2: memref<200xi32, #tpu.memory_space<hbm>>, %arg3: memref<64x100000xf32, #tpu.memory_space<hbm>>, %arg4: memref<100000xf32, #tpu.memory_space<hbm>>, %arg5: memref<1x12800xf32, #tpu.memory_space<hbm>>, %arg6: memref<4x25000xf32, #tpu.memory_space<hbm>>, %arg7: memref<16xi32, #tpu.memory_space<vmem>>, %arg8: memref<8x64x128xf32, #tpu.memory_space<vmem>>, %arg9: memref<512xf32, #tpu.memory_space<vmem>>, %arg10: memref<25000xf32, #tpu.memory_space<vmem>>, %arg11: memref<!tpu.dma_semaphore, #tpu.memory_space<semaphore_mem>>) attributes {dimension_semantics = [#tpu.dimension_semantics<core_parallel>, #tpu.dimension_semantics<subcore_parallel>], iteration_bounds = array<i64: 2, 16>, scalar_prefetch = 0 : i64, scratch_operands = 5 : i64, tpu.core_type = #tpu.core_type<sc_vector_subcore>, window_params = [{transform_indices = #map}, {transform_indices = #map1}, {transform_indices = #map}, {transform_indices = #map1}, {transform_indices = #map1}]} {
    %mul3A = arith.constant 2 : i32
    %mul3A_0 = arith.muli %arg1, %mul3A : i32
    %add3A = arith.addi %mul3A_0, %arg0 : i32
    %ge3A = arith.constant 28 : i32
    %ge3A_1 = arith.cmpi sge, %add3A, %ge3A : i32
    %convert_element_type3A = arith.extui %ge3A_1 : i1 to i32
    %cond3A = arith.constant 0 : i32
    %cond3A_2 = arith.cmpi ne, %convert_element_type3A, %cond3A : i32
    scf.if %cond3A_2 {
      %sub3A = arith.constant 28 : i32
      %sub3A_7 = arith.subi %add3A, %sub3A : i32
      %mul3A_8 = arith.constant 25000 : i32
      %mul3A_9 = arith.muli %sub3A_7, %mul3A_8 : i32
      "tpu.region"() ({
        %run_scoped3A = tpu.sem_alloc : memref<!tpu.dma_semaphore, #tpu.memory_space<semaphore_mem>>
        %dma_start3A = tpu.memref_slice %arg4[%mul3A_9] : memref<100000xf32, #tpu.memory_space<hbm>> -> memref<25000xf32, #tpu.memory_space<hbm>>
        %dma_start3A_10 = tpu.memref_slice %arg4[%mul3A_9] : memref<100000xf32, #tpu.memory_space<hbm>> -> memref<25000xf32, #tpu.memory_space<hbm>>
        tpu.enqueue_dma source(%dma_start3A_10 : memref<25000xf32, #tpu.memory_space<hbm>>) target(%arg10 : memref<25000xf32, #tpu.memory_space<vmem>>) target_semaphore(%run_scoped3A : memref<!tpu.dma_semaphore, #tpu.memory_space<semaphore_mem>>)
        %dma_wait3A = tpu.memref_slice %arg4[%mul3A_9] : memref<100000xf32, #tpu.memory_space<hbm>> -> memref<25000xf32, #tpu.memory_space<hbm>>
        %dma_wait3A_11 = tpu.memref_slice %arg4[%mul3A_9] : memref<100000xf32, #tpu.memory_space<hbm>> -> memref<25000xf32, #tpu.memory_space<hbm>>
        tpu.wait_dma2 semaphore(%run_scoped3A : memref<!tpu.dma_semaphore, #tpu.memory_space<semaphore_mem>>) src(%dma_wait3A_11 : memref<25000xf32, #tpu.memory_space<hbm>>) dst(%arg10 : memref<25000xf32, #tpu.memory_space<vmem>>)
        tpu.yield
      }) : () -> ()
      "tpu.region"() ({
        %run_scoped3A = tpu.sem_alloc : memref<!tpu.dma_semaphore, #tpu.memory_space<semaphore_mem>>
        %dma_start3A = arith.constant 0 : i32
        %dma_start3A_10 = tpu.memref_slice %arg6[%sub3A_7, %dma_start3A] : memref<4x25000xf32, #tpu.memory_space<hbm>> -> memref<1x25000xf32, #tpu.memory_space<hbm>>
        %dma_start3A_11 = tpu.memref_squeeze %dma_start3A_10 : memref<1x25000xf32, #tpu.memory_space<hbm>> -> memref<25000xf32, #tpu.memory_space<hbm>>
        %dma_start3A_12 = arith.constant 0 : i32
        %dma_start3A_13 = tpu.memref_slice %arg6[%sub3A_7, %dma_start3A_12] : memref<4x25000xf32, #tpu.memory_space<hbm>> -> memref<1x25000xf32, #tpu.memory_space<hbm>>
        %dma_start3A_14 = tpu.memref_squeeze %dma_start3A_13 : memref<1x25000xf32, #tpu.memory_space<hbm>> -> memref<25000xf32, #tpu.memory_space<hbm>>
        tpu.enqueue_dma source(%arg10 : memref<25000xf32, #tpu.memory_space<vmem>>) target(%dma_start3A_14 : memref<25000xf32, #tpu.memory_space<hbm>>) target_semaphore(%run_scoped3A : memref<!tpu.dma_semaphore, #tpu.memory_space<semaphore_mem>>)
        %dma_wait3A = arith.constant 0 : i32
        %dma_wait3A_15 = tpu.memref_slice %arg6[%sub3A_7, %dma_wait3A] : memref<4x25000xf32, #tpu.memory_space<hbm>> -> memref<1x25000xf32, #tpu.memory_space<hbm>>
        %dma_wait3A_16 = tpu.memref_squeeze %dma_wait3A_15 : memref<1x25000xf32, #tpu.memory_space<hbm>> -> memref<25000xf32, #tpu.memory_space<hbm>>
        %dma_wait3A_17 = arith.constant 0 : i32
        %dma_wait3A_18 = tpu.memref_slice %arg6[%sub3A_7, %dma_wait3A_17] : memref<4x25000xf32, #tpu.memory_space<hbm>> -> memref<1x25000xf32, #tpu.memory_space<hbm>>
        %dma_wait3A_19 = tpu.memref_squeeze %dma_wait3A_18 : memref<1x25000xf32, #tpu.memory_space<hbm>> -> memref<25000xf32, #tpu.memory_space<hbm>>
        tpu.wait_dma2 semaphore(%run_scoped3A : memref<!tpu.dma_semaphore, #tpu.memory_space<semaphore_mem>>) src(%arg10 : memref<25000xf32, #tpu.memory_space<vmem>>) dst(%dma_wait3A_19 : memref<25000xf32, #tpu.memory_space<hbm>>)
        tpu.yield
      }) : () -> ()
    } else {
    }
    %lt3A = arith.constant 25 : i32
    %lt3A_3 = arith.cmpi slt, %add3A, %lt3A : i32
    %convert_element_type3A_4 = arith.extui %lt3A_3 : i1 to i32
    %cond3A_5 = arith.constant 0 : i32
    %cond3A_6 = arith.cmpi ne, %convert_element_type3A_4, %cond3A_5 : i32
    scf.if %cond3A_6 {
      %mul3A_7 = arith.constant 8 : i32
      %mul3A_8 = arith.muli %add3A, %mul3A_7 : i32
      %min3A = arith.constant 184 : i32
      %min3A_9 = arith.minsi %mul3A_8, %min3A : i32
      %multiple_of3A = tpu.assume_multiple %min3A_9, 8 : i32
      %sub3A = arith.subi %mul3A_8, %multiple_of3A : i32
      "tpu.region"() ({
        %run_scoped3A_34 = tpu.sem_alloc : memref<!tpu.dma_semaphore, #tpu.memory_space<semaphore_mem>>
        %dma_start3A = tpu.memref_slice %arg2[%multiple_of3A] : memref<200xi32, #tpu.memory_space<hbm>> -> memref<16xi32, #tpu.memory_space<hbm>>
        %dma_start3A_35 = tpu.memref_slice %arg2[%multiple_of3A] : memref<200xi32, #tpu.memory_space<hbm>> -> memref<16xi32, #tpu.memory_space<hbm>>
        tpu.enqueue_dma source(%dma_start3A_35 : memref<16xi32, #tpu.memory_space<hbm>>) target(%arg7 : memref<16xi32, #tpu.memory_space<vmem>>) target_semaphore(%run_scoped3A_34 : memref<!tpu.dma_semaphore, #tpu.memory_space<semaphore_mem>>)
        %dma_wait3A = tpu.memref_slice %arg2[%multiple_of3A] : memref<200xi32, #tpu.memory_space<hbm>> -> memref<16xi32, #tpu.memory_space<hbm>>
        %dma_wait3A_36 = tpu.memref_slice %arg2[%multiple_of3A] : memref<200xi32, #tpu.memory_space<hbm>> -> memref<16xi32, #tpu.memory_space<hbm>>
        tpu.wait_dma2 semaphore(%run_scoped3A_34 : memref<!tpu.dma_semaphore, #tpu.memory_space<semaphore_mem>>) src(%dma_wait3A_36 : memref<16xi32, #tpu.memory_space<hbm>>) dst(%arg7 : memref<16xi32, #tpu.memory_space<vmem>>)
        tpu.yield
      }) : () -> ()
      %iota3A = tpu.iota {dimensions = array<i32: 0>} : vector<16xi32>
      %scan3A = arith.constant 0 : i32
      %scan3A_10 = arith.constant 0 : i32
      %scan3A_11 = arith.constant 8 : i32
      %scan3A_12 = arith.addi %scan3A_10, %scan3A_11 : i32
      %scan3A_13 = arith.constant 1 : i32
      %scan3A_14 = scf.for %scan3A_34 = %scan3A_10 to %scan3A_12 step %scan3A_13 iter_args(%scan3A_35 = %scan3A) -> (i32)  : i32 {
        %mul3A_36 = arith.constant 0 : i32
        %mul3A_37 = vector.broadcast %mul3A_36 : i32 to vector<16xi32>
        %mul3A_38 = arith.muli %iota3A, %mul3A_37 : vector<16xi32>
        %add3A_39 = arith.addi %sub3A, %scan3A_34 : i32
        %add3A_40 = vector.broadcast %add3A_39 : i32 to vector<16xi32>
        %add3A_41 = arith.addi %mul3A_38, %add3A_40 : vector<16xi32>
        %gather3A = tpu.vector_load_idx %arg7[%add3A_41] : memref<16xi32, #tpu.memory_space<vmem>>[vector<16xi32>], vector<16xi32>,
        %slice3A = vector.extract_strided_slice %gather3A {offsets = [0], sizes = [1], strides = [1]} : vector<16xi32> to vector<1xi32>
        %squeeze3A = vector.extract %slice3A[0] : i32 from vector<1xi32>
        %jit3A = arith.constant 128 : i32
        %div3A = arith.divsi %squeeze3A, %jit3A : i32
        %sign3A = arith.constant 0 : i32
        %sign3A_42 = arith.cmpi sgt, %squeeze3A, %sign3A : i32
        %sign3A_43 = arith.extui %sign3A_42 : i1 to i32
        %sign3A_44 = arith.constant 0 : i32
        %sign3A_45 = arith.cmpi slt, %squeeze3A, %sign3A_44 : i32
        %sign3A_46 = arith.extui %sign3A_45 : i1 to i32
        %sign3A_47 = arith.subi %sign3A_43, %sign3A_46 : i32
        %sign3A_48 = arith.constant 0 : i32
        %sign3A_49 = arith.cmpi sgt, %jit3A, %sign3A_48 : i32
        %sign3A_50 = arith.extui %sign3A_49 : i1 to i32
        %sign3A_51 = arith.constant 0 : i32
        %sign3A_52 = arith.cmpi slt, %jit3A, %sign3A_51 : i32
        %sign3A_53 = arith.extui %sign3A_52 : i1 to i32
        %sign3A_54 = arith.subi %sign3A_50, %sign3A_53 : i32
        %ne3A = arith.cmpi ne, %sign3A_47, %sign3A_54 : i32
        %rem3A = arith.remsi %squeeze3A, %jit3A : i32
        %ne3A_55 = arith.constant 0 : i32
        %ne3A_56 = arith.cmpi ne, %rem3A, %ne3A_55 : i32
        %and3A = arith.andi %ne3A, %ne3A_56 : i1
        %sub3A_57 = arith.constant 1 : i32
        %sub3A_58 = arith.subi %div3A, %sub3A_57 : i32
        %select_n3A = arith.select %and3A, %sub3A_58, %div3A : i32
        %mul3A_59 = arith.constant 128 : i32
        %mul3A_60 = arith.muli %select_n3A, %mul3A_59 : i32
        %multiple_of3A_61 = tpu.assume_multiple %mul3A_60, 128 : i32
        %dma_start3A = arith.constant 0 : i32
        %dma_start3A_62 = arith.constant 0 : i32
        %dma_start3A_63 = tpu.memref_slice %arg8[%scan3A_34, %dma_start3A, %dma_start3A_62] : memref<8x64x128xf32, #tpu.memory_space<vmem>> -> memref<1x8x128xf32, #tpu.memory_space<vmem>>
        %dma_start3A_64 = tpu.memref_squeeze %dma_start3A_63 : memref<1x8x128xf32, #tpu.memory_space<vmem>> -> memref<8x128xf32, #tpu.memory_space<vmem>>
        %dma_start3A_65 = arith.constant 0 : i32
        %dma_start3A_66 = tpu.memref_slice %arg3[%dma_start3A_65, %multiple_of3A_61] : memref<64x100000xf32, #tpu.memory_space<hbm>> -> memref<8x128xf32, #tpu.memory_space<hbm>>
        %dma_start3A_67 = arith.constant 0 : i32
        %dma_start3A_68 = arith.constant 0 : i32
        %dma_start3A_69 = tpu.memref_slice %arg8[%scan3A_34, %dma_start3A_67, %dma_start3A_68] : memref<8x64x128xf32, #tpu.memory_space<vmem>> -> memref<1x8x128xf32, #tpu.memory_space<vmem>>
        %dma_start3A_70 = tpu.memref_squeeze %dma_start3A_69 : memref<1x8x128xf32, #tpu.memory_space<vmem>> -> memref<8x128xf32, #tpu.memory_space<vmem>>
        %dma_start3A_71 = arith.constant 0 : i32
        %dma_start3A_72 = tpu.memref_slice %arg3[%dma_start3A_71, %multiple_of3A_61] : memref<64x100000xf32, #tpu.memory_space<hbm>> -> memref<8x128xf32, #tpu.memory_space<hbm>>
        tpu.enqueue_dma source(%dma_start3A_72 : memref<8x128xf32, #tpu.memory_space<hbm>>) target(%dma_start3A_70 : memref<8x128xf32, #tpu.memory_space<vmem>>) target_semaphore(%arg11 : memref<!tpu.dma_semaphore, #tpu.memory_space<semaphore_mem>>)
        %dma_start3A_73 = arith.constant 8 : i32
        %dma_start3A_74 = arith.constant 0 : i32
        %dma_start3A_75 = tpu.memref_slice %arg8[%scan3A_34, %dma_start3A_73, %dma_start3A_74] : memref<8x64x128xf32, #tpu.memory_space<vmem>> -> memref<1x8x128xf32, #tpu.memory_space<vmem>>
        %dma_start3A_76 = tpu.memref_squeeze %dma_start3A_75 : memref<1x8x128xf32, #tpu.memory_space<vmem>> -> memref<8x128xf32, #tpu.memory_space<vmem>>
        %dma_start3A_77 = arith.constant 8 : i32
        %dma_start3A_78 = tpu.memref_slice %arg3[%dma_start3A_77, %multiple_of3A_61] : memref<64x100000xf32, #tpu.memory_space<hbm>> -> memref<8x128xf32, #tpu.memory_space<hbm>>
        %dma_start3A_79 = arith.constant 8 : i32
        %dma_start3A_80 = arith.constant 0 : i32
        %dma_start3A_81 = tpu.memref_slice %arg8[%scan3A_34, %dma_start3A_79, %dma_start3A_80] : memref<8x64x128xf32, #tpu.memory_space<vmem>> -> memref<1x8x128xf32, #tpu.memory_space<vmem>>
        %dma_start3A_82 = tpu.memref_squeeze %dma_start3A_81 : memref<1x8x128xf32, #tpu.memory_space<vmem>> -> memref<8x128xf32, #tpu.memory_space<vmem>>
        %dma_start3A_83 = arith.constant 8 : i32
        %dma_start3A_84 = tpu.memref_slice %arg3[%dma_start3A_83, %multiple_of3A_61] : memref<64x100000xf32, #tpu.memory_space<hbm>> -> memref<8x128xf32, #tpu.memory_space<hbm>>
        tpu.enqueue_dma source(%dma_start3A_84 : memref<8x128xf32, #tpu.memory_space<hbm>>) target(%dma_start3A_82 : memref<8x128xf32, #tpu.memory_space<vmem>>) target_semaphore(%arg11 : memref<!tpu.dma_semaphore, #tpu.memory_space<semaphore_mem>>)
        %dma_start3A_85 = arith.constant 16 : i32
        %dma_start3A_86 = arith.constant 0 : i32
        %dma_start3A_87 = tpu.memref_slice %arg8[%scan3A_34, %dma_start3A_85, %dma_start3A_86] : memref<8x64x128xf32, #tpu.memory_space<vmem>> -> memref<1x8x128xf32, #tpu.memory_space<vmem>>
        %dma_start3A_88 = tpu.memref_squeeze %dma_start3A_87 : memref<1x8x128xf32, #tpu.memory_space<vmem>> -> memref<8x128xf32, #tpu.memory_space<vmem>>
        %dma_start3A_89 = arith.constant 16 : i32
        %dma_start3A_90 = tpu.memref_slice %arg3[%dma_start3A_89, %multiple_of3A_61] : memref<64x100000xf32, #tpu.memory_space<hbm>> -> memref<8x128xf32, #tpu.memory_space<hbm>>
        %dma_start3A_91 = arith.constant 16 : i32
        %dma_start3A_92 = arith.constant 0 : i32
        %dma_start3A_93 = tpu.memref_slice %arg8[%scan3A_34, %dma_start3A_91, %dma_start3A_92] : memref<8x64x128xf32, #tpu.memory_space<vmem>> -> memref<1x8x128xf32, #tpu.memory_space<vmem>>
        %dma_start3A_94 = tpu.memref_squeeze %dma_start3A_93 : memref<1x8x128xf32, #tpu.memory_space<vmem>> -> memref<8x128xf32, #tpu.memory_space<vmem>>
        %dma_start3A_95 = arith.constant 16 : i32
        %dma_start3A_96 = tpu.memref_slice %arg3[%dma_start3A_95, %multiple_of3A_61] : memref<64x100000xf32, #tpu.memory_space<hbm>> -> memref<8x128xf32, #tpu.memory_space<hbm>>
        tpu.enqueue_dma source(%dma_start3A_96 : memref<8x128xf32, #tpu.memory_space<hbm>>) target(%dma_start3A_94 : memref<8x128xf32, #tpu.memory_space<vmem>>) target_semaphore(%arg11 : memref<!tpu.dma_semaphore, #tpu.memory_space<semaphore_mem>>)
        %dma_start3A_97 = arith.constant 24 : i32
        %dma_start3A_98 = arith.constant 0 : i32
        %dma_start3A_99 = tpu.memref_slice %arg8[%scan3A_34, %dma_start3A_97, %dma_start3A_98] : memref<8x64x128xf32, #tpu.memory_space<vmem>> -> memref<1x8x128xf32, #tpu.memory_space<vmem>>
        %dma_start3A_100 = tpu.memref_squeeze %dma_start3A_99 : memref<1x8x128xf32, #tpu.memory_space<vmem>> -> memref<8x128xf32, #tpu.memory_space<vmem>>
        %dma_start3A_101 = arith.constant 24 : i32
        %dma_start3A_102 = tpu.memref_slice %arg3[%dma_start3A_101, %multiple_of3A_61] : memref<64x100000xf32, #tpu.memory_space<hbm>> -> memref<8x128xf32, #tpu.memory_space<hbm>>
        %dma_start3A_103 = arith.constant 24 : i32
        %dma_start3A_104 = arith.constant 0 : i32
        %dma_start3A_105 = tpu.memref_slice %arg8[%scan3A_34, %dma_start3A_103, %dma_start3A_104] : memref<8x64x128xf32, #tpu.memory_space<vmem>> -> memref<1x8x128xf32, #tpu.memory_space<vmem>>
        %dma_start3A_106 = tpu.memref_squeeze %dma_start3A_105 : memref<1x8x128xf32, #tpu.memory_space<vmem>> -> memref<8x128xf32, #tpu.memory_space<vmem>>
        %dma_start3A_107 = arith.constant 24 : i32
        %dma_start3A_108 = tpu.memref_slice %arg3[%dma_start3A_107, %multiple_of3A_61] : memref<64x100000xf32, #tpu.memory_space<hbm>> -> memref<8x128xf32, #tpu.memory_space<hbm>>
        tpu.enqueue_dma source(%dma_start3A_108 : memref<8x128xf32, #tpu.memory_space<hbm>>) target(%dma_start3A_106 : memref<8x128xf32, #tpu.memory_space<vmem>>) target_semaphore(%arg11 : memref<!tpu.dma_semaphore, #tpu.memory_space<semaphore_mem>>)
        %dma_start3A_109 = arith.constant 32 : i32
        %dma_start3A_110 = arith.constant 0 : i32
        %dma_start3A_111 = tpu.memref_slice %arg8[%scan3A_34, %dma_start3A_109, %dma_start3A_110] : memref<8x64x128xf32, #tpu.memory_space<vmem>> -> memref<1x8x128xf32, #tpu.memory_space<vmem>>
        %dma_start3A_112 = tpu.memref_squeeze %dma_start3A_111 : memref<1x8x128xf32, #tpu.memory_space<vmem>> -> memref<8x128xf32, #tpu.memory_space<vmem>>
        %dma_start3A_113 = arith.constant 32 : i32
        %dma_start3A_114 = tpu.memref_slice %arg3[%dma_start3A_113, %multiple_of3A_61] : memref<64x100000xf32, #tpu.memory_space<hbm>> -> memref<8x128xf32, #tpu.memory_space<hbm>>
        %dma_start3A_115 = arith.constant 32 : i32
        %dma_start3A_116 = arith.constant 0 : i32
        %dma_start3A_117 = tpu.memref_slice %arg8[%scan3A_34, %dma_start3A_115, %dma_start3A_116] : memref<8x64x128xf32, #tpu.memory_space<vmem>> -> memref<1x8x128xf32, #tpu.memory_space<vmem>>
        %dma_start3A_118 = tpu.memref_squeeze %dma_start3A_117 : memref<1x8x128xf32, #tpu.memory_space<vmem>> -> memref<8x128xf32, #tpu.memory_space<vmem>>
        %dma_start3A_119 = arith.constant 32 : i32
        %dma_start3A_120 = tpu.memref_slice %arg3[%dma_start3A_119, %multiple_of3A_61] : memref<64x100000xf32, #tpu.memory_space<hbm>> -> memref<8x128xf32, #tpu.memory_space<hbm>>
        tpu.enqueue_dma source(%dma_start3A_120 : memref<8x128xf32, #tpu.memory_space<hbm>>) target(%dma_start3A_118 : memref<8x128xf32, #tpu.memory_space<vmem>>) target_semaphore(%arg11 : memref<!tpu.dma_semaphore, #tpu.memory_space<semaphore_mem>>)
        %dma_start3A_121 = arith.constant 40 : i32
        %dma_start3A_122 = arith.constant 0 : i32
        %dma_start3A_123 = tpu.memref_slice %arg8[%scan3A_34, %dma_start3A_121, %dma_start3A_122] : memref<8x64x128xf32, #tpu.memory_space<vmem>> -> memref<1x8x128xf32, #tpu.memory_space<vmem>>
        %dma_start3A_124 = tpu.memref_squeeze %dma_start3A_123 : memref<1x8x128xf32, #tpu.memory_space<vmem>> -> memref<8x128xf32, #tpu.memory_space<vmem>>
        %dma_start3A_125 = arith.constant 40 : i32
        %dma_start3A_126 = tpu.memref_slice %arg3[%dma_start3A_125, %multiple_of3A_61] : memref<64x100000xf32, #tpu.memory_space<hbm>> -> memref<8x128xf32, #tpu.memory_space<hbm>>
        %dma_start3A_127 = arith.constant 40 : i32
        %dma_start3A_128 = arith.constant 0 : i32
        %dma_start3A_129 = tpu.memref_slice %arg8[%scan3A_34, %dma_start3A_127, %dma_start3A_128] : memref<8x64x128xf32, #tpu.memory_space<vmem>> -> memref<1x8x128xf32, #tpu.memory_space<vmem>>
        %dma_start3A_130 = tpu.memref_squeeze %dma_start3A_129 : memref<1x8x128xf32, #tpu.memory_space<vmem>> -> memref<8x128xf32, #tpu.memory_space<vmem>>
        %dma_start3A_131 = arith.constant 40 : i32
        %dma_start3A_132 = tpu.memref_slice %arg3[%dma_start3A_131, %multiple_of3A_61] : memref<64x100000xf32, #tpu.memory_space<hbm>> -> memref<8x128xf32, #tpu.memory_space<hbm>>
        tpu.enqueue_dma source(%dma_start3A_132 : memref<8x128xf32, #tpu.memory_space<hbm>>) target(%dma_start3A_130 : memref<8x128xf32, #tpu.memory_space<vmem>>) target_semaphore(%arg11 : memref<!tpu.dma_semaphore, #tpu.memory_space<semaphore_mem>>)
        %dma_start3A_133 = arith.constant 48 : i32
        %dma_start3A_134 = arith.constant 0 : i32
        %dma_start3A_135 = tpu.memref_slice %arg8[%scan3A_34, %dma_start3A_133, %dma_start3A_134] : memref<8x64x128xf32, #tpu.memory_space<vmem>> -> memref<1x8x128xf32, #tpu.memory_space<vmem>>
        %dma_start3A_136 = tpu.memref_squeeze %dma_start3A_135 : memref<1x8x128xf32, #tpu.memory_space<vmem>> -> memref<8x128xf32, #tpu.memory_space<vmem>>
        %dma_start3A_137 = arith.constant 48 : i32
        %dma_start3A_138 = tpu.memref_slice %arg3[%dma_start3A_137, %multiple_of3A_61] : memref<64x100000xf32, #tpu.memory_space<hbm>> -> memref<8x128xf32, #tpu.memory_space<hbm>>
        %dma_start3A_139 = arith.constant 48 : i32
        %dma_start3A_140 = arith.constant 0 : i32
        %dma_start3A_141 = tpu.memref_slice %arg8[%scan3A_34, %dma_start3A_139, %dma_start3A_140] : memref<8x64x128xf32, #tpu.memory_space<vmem>> -> memref<1x8x128xf32, #tpu.memory_space<vmem>>
        %dma_start3A_142 = tpu.memref_squeeze %dma_start3A_141 : memref<1x8x128xf32, #tpu.memory_space<vmem>> -> memref<8x128xf32, #tpu.memory_space<vmem>>
        %dma_start3A_143 = arith.constant 48 : i32
        %dma_start3A_144 = tpu.memref_slice %arg3[%dma_start3A_143, %multiple_of3A_61] : memref<64x100000xf32, #tpu.memory_space<hbm>> -> memref<8x128xf32, #tpu.memory_space<hbm>>
        tpu.enqueue_dma source(%dma_start3A_144 : memref<8x128xf32, #tpu.memory_space<hbm>>) target(%dma_start3A_142 : memref<8x128xf32, #tpu.memory_space<vmem>>) target_semaphore(%arg11 : memref<!tpu.dma_semaphore, #tpu.memory_space<semaphore_mem>>)
        %dma_start3A_145 = arith.constant 56 : i32
        %dma_start3A_146 = arith.constant 0 : i32
        %dma_start3A_147 = tpu.memref_slice %arg8[%scan3A_34, %dma_start3A_145, %dma_start3A_146] : memref<8x64x128xf32, #tpu.memory_space<vmem>> -> memref<1x8x128xf32, #tpu.memory_space<vmem>>
        %dma_start3A_148 = tpu.memref_squeeze %dma_start3A_147 : memref<1x8x128xf32, #tpu.memory_space<vmem>> -> memref<8x128xf32, #tpu.memory_space<vmem>>
        %dma_start3A_149 = arith.constant 56 : i32
        %dma_start3A_150 = tpu.memref_slice %arg3[%dma_start3A_149, %multiple_of3A_61] : memref<64x100000xf32, #tpu.memory_space<hbm>> -> memref<8x128xf32, #tpu.memory_space<hbm>>
        %dma_start3A_151 = arith.constant 56 : i32
        %dma_start3A_152 = arith.constant 0 : i32
        %dma_start3A_153 = tpu.memref_slice %arg8[%scan3A_34, %dma_start3A_151, %dma_start3A_152] : memref<8x64x128xf32, #tpu.memory_space<vmem>> -> memref<1x8x128xf32, #tpu.memory_space<vmem>>
        %dma_start3A_154 = tpu.memref_squeeze %dma_start3A_153 : memref<1x8x128xf32, #tpu.memory_space<vmem>> -> memref<8x128xf32, #tpu.memory_space<vmem>>
        %dma_start3A_155 = arith.constant 56 : i32
        %dma_start3A_156 = tpu.memref_slice %arg3[%dma_start3A_155, %multiple_of3A_61] : memref<64x100000xf32, #tpu.memory_space<hbm>> -> memref<8x128xf32, #tpu.memory_space<hbm>>
        tpu.enqueue_dma source(%dma_start3A_156 : memref<8x128xf32, #tpu.memory_space<hbm>>) target(%dma_start3A_154 : memref<8x128xf32, #tpu.memory_space<vmem>>) target_semaphore(%arg11 : memref<!tpu.dma_semaphore, #tpu.memory_space<semaphore_mem>>)
        %scan3A_157 = arith.constant 0 : i32
        scf.yield %scan3A_157 : i32
      }
      %scan3A_15 = arith.constant 8 : i32
      %scan3A_16 = arith.constant 0 : i32
      %scan3A_17 = arith.constant 0 : i32
      %scan3A_18 = arith.constant 8 : i32
      %scan3A_19 = arith.addi %scan3A_17, %scan3A_18 : i32
      %scan3A_20 = arith.constant 1 : i32
      %scan3A_21 = scf.for %scan3A_34 = %scan3A_17 to %scan3A_19 step %scan3A_20 iter_args(%scan3A_35 = %scan3A_16) -> (i32)  : i32 {
        %dma_wait3A = arith.constant 0 : i32
        %dma_wait3A_36 = arith.constant 0 : i32
        %dma_wait3A_37 = tpu.memref_slice %arg8[%scan3A_34, %dma_wait3A, %dma_wait3A_36] : memref<8x64x128xf32, #tpu.memory_space<vmem>> -> memref<1x64x128xf32, #tpu.memory_space<vmem>>
        %dma_wait3A_38 = tpu.memref_squeeze %dma_wait3A_37 : memref<1x64x128xf32, #tpu.memory_space<vmem>> -> memref<64x128xf32, #tpu.memory_space<vmem>>
        %dma_wait3A_39 = arith.constant 0 : i32
        %dma_wait3A_40 = arith.constant 0 : i32
        %dma_wait3A_41 = tpu.memref_slice %arg3[%dma_wait3A_39, %dma_wait3A_40] : memref<64x100000xf32, #tpu.memory_space<hbm>> -> memref<64x128xf32, #tpu.memory_space<hbm>>
        %dma_wait3A_42 = arith.constant 0 : i32
        %dma_wait3A_43 = arith.constant 0 : i32
        %dma_wait3A_44 = tpu.memref_slice %arg8[%scan3A_34, %dma_wait3A_42, %dma_wait3A_43] : memref<8x64x128xf32, #tpu.memory_space<vmem>> -> memref<1x64x128xf32, #tpu.memory_space<vmem>>
        %dma_wait3A_45 = tpu.memref_squeeze %dma_wait3A_44 : memref<1x64x128xf32, #tpu.memory_space<vmem>> -> memref<64x128xf32, #tpu.memory_space<vmem>>
        %dma_wait3A_46 = arith.constant 0 : i32
        %dma_wait3A_47 = arith.constant 0 : i32
        %dma_wait3A_48 = tpu.memref_slice %arg3[%dma_wait3A_46, %dma_wait3A_47] : memref<64x100000xf32, #tpu.memory_space<hbm>> -> memref<64x128xf32, #tpu.memory_space<hbm>>
        tpu.wait_dma2 semaphore(%arg11 : memref<!tpu.dma_semaphore, #tpu.memory_space<semaphore_mem>>) src(%dma_wait3A_48 : memref<64x128xf32, #tpu.memory_space<hbm>>) dst(%dma_wait3A_45 : memref<64x128xf32, #tpu.memory_space<vmem>>)
        %scan3A_49 = arith.constant 0 : i32
        scf.yield %scan3A_49 : i32
      }
      %scan3A_22 = arith.constant 8 : i32
      %scan3A_23 = arith.constant 0 : i32
      %scan3A_24 = arith.constant 0 : i32
      %scan3A_25 = arith.constant 8 : i32
      %scan3A_26 = arith.addi %scan3A_24, %scan3A_25 : i32
      %scan3A_27 = arith.constant 1 : i32
      %scan3A_28 = scf.for %scan3A_34 = %scan3A_24 to %scan3A_26 step %scan3A_27 iter_args(%scan3A_35 = %scan3A_23) -> (i32)  : i32 {
        %mul3A_36 = arith.constant 0 : i32
        %mul3A_37 = vector.broadcast %mul3A_36 : i32 to vector<16xi32>
        %mul3A_38 = arith.muli %iota3A, %mul3A_37 : vector<16xi32>
        %add3A_39 = arith.addi %sub3A, %scan3A_34 : i32
        %add3A_40 = vector.broadcast %add3A_39 : i32 to vector<16xi32>
        %add3A_41 = arith.addi %mul3A_38, %add3A_40 : vector<16xi32>
        %gather3A = tpu.vector_load_idx %arg7[%add3A_41] : memref<16xi32, #tpu.memory_space<vmem>>[vector<16xi32>], vector<16xi32>,
        %slice3A = vector.extract_strided_slice %gather3A {offsets = [0], sizes = [1], strides = [1]} : vector<16xi32> to vector<1xi32>
        %squeeze3A = vector.extract %slice3A[0] : i32 from vector<1xi32>
        %mul3A_42 = arith.constant 0 : i32
        %mul3A_43 = vector.broadcast %mul3A_42 : i32 to vector<16xi32>
        %mul3A_44 = arith.muli %iota3A, %mul3A_43 : vector<16xi32>
        %jit3A = arith.constant 128 : i32
        %eq3A = arith.constant 0 : i32
        %eq3A_45 = arith.cmpi eq, %jit3A, %eq3A : i32
        %jit3A_46 = arith.constant 1 : i32
        %select_n3A = arith.select %eq3A_45, %jit3A_46, %jit3A : i32
        %rem3A = arith.remsi %squeeze3A, %select_n3A : i32
        %ne3A = arith.constant 0 : i32
        %ne3A_47 = arith.cmpi ne, %rem3A, %ne3A : i32
        %lt3A_48 = arith.constant 0 : i32
        %lt3A_49 = arith.cmpi slt, %rem3A, %lt3A_48 : i32
        %lt3A_50 = arith.constant 0 : i32
        %lt3A_51 = arith.cmpi slt, %select_n3A, %lt3A_50 : i32
        %ne3A_52 = arith.xori %lt3A_49, %lt3A_51 : i1
        %and3A = arith.andi %ne3A_52, %ne3A_47 : i1
        %add3A_53 = arith.addi %rem3A, %select_n3A : i32
        %select_n3A_54 = arith.select %and3A, %add3A_53, %rem3A : i32
        %add3A_55 = vector.broadcast %select_n3A_54 : i32 to vector<16xi32>
        %add3A_56 = arith.addi %mul3A_44, %add3A_55 : vector<16xi32>
        %mul3A_57 = arith.constant 0 : i32
        %mul3A_58 = vector.broadcast %mul3A_57 : i32 to vector<16xi32>
        %mul3A_59 = arith.muli %iota3A, %mul3A_58 : vector<16xi32>
        %add3A_60 = vector.broadcast %scan3A_34 : i32 to vector<16xi32>
        %add3A_61 = arith.addi %mul3A_59, %add3A_60 : vector<16xi32>
        %add3A_62 = arith.constant 0 : i32
        %add3A_63 = vector.broadcast %add3A_62 : i32 to vector<16xi32>
        %add3A_64 = arith.addi %iota3A, %add3A_63 : vector<16xi32>
        %gather3A_65 = tpu.vector_load_idx %arg8[%add3A_61, %add3A_64, %add3A_56] : memref<8x64x128xf32, #tpu.memory_space<vmem>>[vector<16xi32>, vector<16xi32>, vector<16xi32>], vector<16xf32>,
        %mul3A_66 = arith.constant 64 : i32
        %mul3A_67 = arith.muli %scan3A_34, %mul3A_66 : i32
        %add3A_68 = arith.constant 0 : i32
        %add3A_69 = arith.addi %mul3A_67, %add3A_68 : i32
        %swap3A = arith.index_cast %add3A_69 : i32 to index
        %swap3A_70 = tpu.vector_load %arg9[%swap3A] {strides = array<i32>} : memref<512xf32, #tpu.memory_space<vmem>>, vector<16xf32>,
        tpu.vector_store %arg9[%swap3A], %gather3A_65 {strides = array<i32>} : memref<512xf32, #tpu.memory_space<vmem>>, vector<16xf32>,
        %add3A_71 = arith.constant 16 : i32
        %add3A_72 = vector.broadcast %add3A_71 : i32 to vector<16xi32>
        %add3A_73 = arith.addi %iota3A, %add3A_72 : vector<16xi32>
        %gather3A_74 = tpu.vector_load_idx %arg8[%add3A_61, %add3A_73, %add3A_56] : memref<8x64x128xf32, #tpu.memory_space<vmem>>[vector<16xi32>, vector<16xi32>, vector<16xi32>], vector<16xf32>,
        %mul3A_75 = arith.constant 64 : i32
        %mul3A_76 = arith.muli %scan3A_34, %mul3A_75 : i32
        %add3A_77 = arith.constant 16 : i32
        %add3A_78 = arith.addi %mul3A_76, %add3A_77 : i32
        %swap3A_79 = arith.index_cast %add3A_78 : i32 to index
        %swap3A_80 = tpu.vector_load %arg9[%swap3A_79] {strides = array<i32>} : memref<512xf32, #tpu.memory_space<vmem>>, vector<16xf32>,
        tpu.vector_store %arg9[%swap3A_79], %gather3A_74 {strides = array<i32>} : memref<512xf32, #tpu.memory_space<vmem>>, vector<16xf32>,
        %add3A_81 = arith.constant 32 : i32
        %add3A_82 = vector.broadcast %add3A_81 : i32 to vector<16xi32>
        %add3A_83 = arith.addi %iota3A, %add3A_82 : vector<16xi32>
        %gather3A_84 = tpu.vector_load_idx %arg8[%add3A_61, %add3A_83, %add3A_56] : memref<8x64x128xf32, #tpu.memory_space<vmem>>[vector<16xi32>, vector<16xi32>, vector<16xi32>], vector<16xf32>,
        %mul3A_85 = arith.constant 64 : i32
        %mul3A_86 = arith.muli %scan3A_34, %mul3A_85 : i32
        %add3A_87 = arith.constant 32 : i32
        %add3A_88 = arith.addi %mul3A_86, %add3A_87 : i32
        %swap3A_89 = arith.index_cast %add3A_88 : i32 to index
        %swap3A_90 = tpu.vector_load %arg9[%swap3A_89] {strides = array<i32>} : memref<512xf32, #tpu.memory_space<vmem>>, vector<16xf32>,
        tpu.vector_store %arg9[%swap3A_89], %gather3A_84 {strides = array<i32>} : memref<512xf32, #tpu.memory_space<vmem>>, vector<16xf32>,
        %add3A_91 = arith.constant 48 : i32
        %add3A_92 = vector.broadcast %add3A_91 : i32 to vector<16xi32>
        %add3A_93 = arith.addi %iota3A, %add3A_92 : vector<16xi32>
        %gather3A_94 = tpu.vector_load_idx %arg8[%add3A_61, %add3A_93, %add3A_56] : memref<8x64x128xf32, #tpu.memory_space<vmem>>[vector<16xi32>, vector<16xi32>, vector<16xi32>], vector<16xf32>,
        %mul3A_95 = arith.constant 64 : i32
        %mul3A_96 = arith.muli %scan3A_34, %mul3A_95 : i32
        %add3A_97 = arith.constant 48 : i32
        %add3A_98 = arith.addi %mul3A_96, %add3A_97 : i32
        %swap3A_99 = arith.index_cast %add3A_98 : i32 to index
        %swap3A_100 = tpu.vector_load %arg9[%swap3A_99] {strides = array<i32>} : memref<512xf32, #tpu.memory_space<vmem>>, vector<16xf32>,
        tpu.vector_store %arg9[%swap3A_99], %gather3A_94 {strides = array<i32>} : memref<512xf32, #tpu.memory_space<vmem>>, vector<16xf32>,
        %scan3A_101 = arith.constant 0 : i32
        scf.yield %scan3A_101 : i32
      }
      %scan3A_29 = arith.constant 8 : i32
      %mul3A_30 = arith.constant 8 : i32
      %mul3A_31 = arith.muli %add3A, %mul3A_30 : i32
      %mul3A_32 = arith.constant 64 : i32
      %mul3A_33 = arith.muli %mul3A_31, %mul3A_32 : i32
      %run_scoped3A = arith.constant 0 : i32
      "tpu.region"() ({
        %run_scoped3A_34 = tpu.sem_alloc : memref<!tpu.dma_semaphore, #tpu.memory_space<semaphore_mem>>
        %dma_start3A = tpu.memref_slice %arg5[%run_scoped3A, %mul3A_33] : memref<1x12800xf32, #tpu.memory_space<hbm>> -> memref<1x512xf32, #tpu.memory_space<hbm>>
        %dma_start3A_35 = tpu.memref_squeeze %dma_start3A : memref<1x512xf32, #tpu.memory_space<hbm>> -> memref<512xf32, #tpu.memory_space<hbm>>
        %dma_start3A_36 = tpu.memref_slice %arg5[%run_scoped3A, %mul3A_33] : memref<1x12800xf32, #tpu.memory_space<hbm>> -> memref<1x512xf32, #tpu.memory_space<hbm>>
        %dma_start3A_37 = tpu.memref_squeeze %dma_start3A_36 : memref<1x512xf32, #tpu.memory_space<hbm>> -> memref<512xf32, #tpu.memory_space<hbm>>
        tpu.enqueue_dma source(%arg9 : memref<512xf32, #tpu.memory_space<vmem>>) target(%dma_start3A_37 : memref<512xf32, #tpu.memory_space<hbm>>) target_semaphore(%run_scoped3A_34 : memref<!tpu.dma_semaphore, #tpu.memory_space<semaphore_mem>>)
        %dma_wait3A = tpu.memref_slice %arg5[%run_scoped3A, %mul3A_33] : memref<1x12800xf32, #tpu.memory_space<hbm>> -> memref<1x512xf32, #tpu.memory_space<hbm>>
        %dma_wait3A_38 = tpu.memref_squeeze %dma_wait3A : memref<1x512xf32, #tpu.memory_space<hbm>> -> memref<512xf32, #tpu.memory_space<hbm>>
        %dma_wait3A_39 = tpu.memref_slice %arg5[%run_scoped3A, %mul3A_33] : memref<1x12800xf32, #tpu.memory_space<hbm>> -> memref<1x512xf32, #tpu.memory_space<hbm>>
        %dma_wait3A_40 = tpu.memref_squeeze %dma_wait3A_39 : memref<1x512xf32, #tpu.memory_space<hbm>> -> memref<512xf32, #tpu.memory_space<hbm>>
        tpu.wait_dma2 semaphore(%run_scoped3A_34 : memref<!tpu.dma_semaphore, #tpu.memory_space<semaphore_mem>>) src(%arg9 : memref<512xf32, #tpu.memory_space<vmem>>) dst(%dma_wait3A_40 : memref<512xf32, #tpu.memory_space<hbm>>)
        tpu.yield
      }) : () -> ()
    } else {
    }
    return
  }
}

module attributes {stable_mosaic.version = 14 : i64} {
  func.func @_mlp_body(%arg0: i32, %arg1: memref<1x12800xf32, #tpu.memory_space<vmem>>, %arg2: memref<128x12800xf32, #tpu.memory_space<vmem>>, %arg3: memref<1x128xf32, #tpu.memory_space<vmem>>, %arg4: memref<25000x128xf32, #tpu.memory_space<vmem>>, %arg5: memref<4x25000xf32, #tpu.memory_space<vmem>>, %arg6: memref<4x25000xf32, #tpu.memory_space<vmem>>, %arg7: memref<1x128xf32, #tpu.memory_space<vmem>>) attributes {dimension_semantics = [#tpu.dimension_semantics<arbitrary>], iteration_bounds = array<i64: 5>, scalar_prefetch = 0 : i64, scratch_operands = 1 : i64, tpu.core_type = #tpu.core_type<tc>, window_params = [{pipeline_mode = #tpu.pipeline_mode<synchronous>, transform_indices = @transform_0, window_bounds = array<i64: 1, 12800>}, {pipeline_mode = #tpu.pipeline_mode<synchronous>, transform_indices = @transform_1, window_bounds = array<i64: 128, 12800>}, {pipeline_mode = #tpu.pipeline_mode<synchronous>, transform_indices = @transform_2, window_bounds = array<i64: 1, 128>}, {transform_indices = @transform_3, window_bounds = array<i64: 25000, 128>}, {pipeline_mode = #tpu.pipeline_mode<synchronous>, transform_indices = @transform_4, window_bounds = array<i64: 4, 25000>}, {pipeline_mode = #tpu.pipeline_mode<synchronous>, transform_indices = @transform_5, window_bounds = array<i64: 4, 25000>}]} {
    %eq3A = arith.constant 0 : i32
    %eq3A_0 = arith.cmpi eq, %arg0, %eq3A : i32
    %convert_element_type3A = arith.extui %eq3A_0 : i1 to i32
    %cond3A = arith.constant 0 : i32
    %cond3A_1 = arith.cmpi ne, %convert_element_type3A, %cond3A : i32
    scf.if %cond3A_1 {
      %get3A = arith.constant 0 : index
      %get3A_11 = arith.constant 0 : index
      %get3A_12 = vector.load %arg1[%get3A, %get3A_11] : memref<1x12800xf32, #tpu.memory_space<vmem>>, vector<1x12800xf32>
      %get3A_13 = arith.constant 0 : index
      %get3A_14 = arith.constant 0 : index
      %get3A_15 = vector.load %arg2[%get3A_13, %get3A_14] : memref<128x12800xf32, #tpu.memory_space<vmem>>, vector<128x12800xf32>
      %dot_general3A = arith.constant dense<0.000000e+00> : vector<1x128xf32>
      %dot_general3A_16 = tpu.matmul %get3A_12, %get3A_15, %dot_general3A {dimension_numbers = #tpu.dot_dimension_numbers<[1], [1], [0], [0], [0, 0, 1, 0], [], []>, transpose_lhs_hint = false} : vector<1x12800xf32>, vector<128x12800xf32>, vector<1x128xf32> -> vector<1x128xf32>
      %get3A_17 = arith.constant 0 : index
      %get3A_18 = arith.constant 0 : index
      %get3A_19 = vector.load %arg3[%get3A_17, %get3A_18] : memref<1x128xf32, #tpu.memory_space<vmem>>, vector<1x128xf32>
      %add3A = arith.addf %dot_general3A_16, %get3A_19 : vector<1x128xf32>
      %max3A = arith.constant 0.000000e+00 : f32
      %max3A_20 = vector.broadcast %max3A : f32 to vector<1x128xf32>
      %max3A_21 = arith.maximumf %add3A, %max3A_20 : vector<1x128xf32>
      %swap3A = arith.constant 0 : index
      %swap3A_22 = arith.constant 0 : index
      %swap3A_23 = vector.load %arg7[%swap3A, %swap3A_22] : memref<1x128xf32, #tpu.memory_space<vmem>>, vector<1x128xf32>
      tpu.vector_store %arg7[%swap3A, %swap3A_22], %max3A_21 {strides = array<i32>} : memref<1x128xf32, #tpu.memory_space<vmem>>, vector<1x128xf32>,
    } else {
    }
    %lt3A = arith.constant 4 : i32
    %lt3A_2 = arith.cmpi slt, %arg0, %lt3A : i32
    %convert_element_type3A_3 = arith.extui %lt3A_2 : i1 to i32
    %cond3A_4 = arith.constant 0 : i32
    %cond3A_5 = arith.cmpi ne, %convert_element_type3A_3, %cond3A_4 : i32
    scf.if %cond3A_5 {
      %get3A = arith.constant 0 : index
      %get3A_11 = arith.constant 0 : index
      %get3A_12 = vector.load %arg7[%get3A, %get3A_11] : memref<1x128xf32, #tpu.memory_space<vmem>>, vector<1x128xf32>
      %get3A_13 = arith.constant 0 : index
      %get3A_14 = arith.constant 0 : index
      %get3A_15 = vector.load %arg4[%get3A_13, %get3A_14] : memref<25000x128xf32, #tpu.memory_space<vmem>>, vector<25000x128xf32>
      %dot_general3A = arith.constant dense<0.000000e+00> : vector<1x25000xf32>
      %dot_general3A_16 = tpu.matmul %get3A_12, %get3A_15, %dot_general3A {dimension_numbers = #tpu.dot_dimension_numbers<[1], [1], [0], [0], [0, 0, 1, 0], [], []>, transpose_lhs_hint = false} : vector<1x128xf32>, vector<25000x128xf32>, vector<1x25000xf32> -> vector<1x25000xf32>
      %swap3A = arith.index_cast %arg0 : i32 to index
      %swap3A_17 = arith.constant 0 : index
      %swap3A_18 = vector.load %arg6[%swap3A, %swap3A_17] : memref<4x25000xf32, #tpu.memory_space<vmem>>, vector<1x25000xf32>
      tpu.vector_store %arg6[%swap3A, %swap3A_17], %dot_general3A_16 {strides = array<i32>} : memref<4x25000xf32, #tpu.memory_space<vmem>>, vector<1x25000xf32>,
    } else {
    }
    %eq3A_6 = arith.constant 4 : i32
    %eq3A_7 = arith.cmpi eq, %arg0, %eq3A_6 : i32
    %convert_element_type3A_8 = arith.extui %eq3A_7 : i1 to i32
    %cond3A_9 = arith.constant 0 : i32
    %cond3A_10 = arith.cmpi ne, %convert_element_type3A_8, %cond3A_9 : i32
    scf.if %cond3A_10 {
      %get3A = arith.constant 0 : index
      %get3A_11 = arith.constant 0 : index
      %get3A_12 = vector.load %arg6[%get3A, %get3A_11] : memref<4x25000xf32, #tpu.memory_space<vmem>>, vector<4x25000xf32>
      %get3A_13 = arith.constant 0 : index
      %get3A_14 = arith.constant 0 : index
      %get3A_15 = vector.load %arg5[%get3A_13, %get3A_14] : memref<4x25000xf32, #tpu.memory_space<vmem>>, vector<4x25000xf32>
      %add3A = arith.addf %get3A_12, %get3A_15 : vector<4x25000xf32>
      %reduce_max3A = arith.constant dense<0xFF800000> : vector<4xf32>
      %reduce_max3A_16 = vector.multi_reduction <maximumf>, %add3A, %reduce_max3A [1] : vector<4x25000xf32> to vector<4xf32>
      %broadcast_in_dim3A = vector.shape_cast %reduce_max3A_16 : vector<4xf32> to vector<4x1xf32>
      %reduce_max3A_17 = arith.constant dense<0xFF800000> : vector<1xf32>
      %reduce_max3A_18 = vector.multi_reduction <maximumf>, %broadcast_in_dim3A, %reduce_max3A_17 [0] : vector<4x1xf32> to vector<1xf32>
      %broadcast_in_dim3A_19 = vector.shape_cast %reduce_max3A_18 : vector<1xf32> to vector<1x1xf32>
      %sub3A = vector.broadcast %broadcast_in_dim3A_19 : vector<1x1xf32> to vector<4x25000xf32>
      %sub3A_20 = arith.subf %add3A, %sub3A : vector<4x25000xf32>
      %exp3A = math.exp %sub3A_20 : vector<4x25000xf32>
      %reduce_sum3A = arith.constant dense<0.000000e+00> : vector<4xf32>
      %reduce_sum3A_21 = vector.multi_reduction <add>, %exp3A, %reduce_sum3A [1] : vector<4x25000xf32> to vector<4xf32>
      %broadcast_in_dim3A_22 = vector.shape_cast %reduce_sum3A_21 : vector<4xf32> to vector<4x1xf32>
      %reduce_sum3A_23 = arith.constant dense<0.000000e+00> : vector<1xf32>
      %reduce_sum3A_24 = vector.multi_reduction <add>, %broadcast_in_dim3A_22, %reduce_sum3A_23 [0] : vector<4x1xf32> to vector<1xf32>
      %broadcast_in_dim3A_25 = vector.shape_cast %reduce_sum3A_24 : vector<1xf32> to vector<1x1xf32>
      %log3A = math.log %broadcast_in_dim3A_25 : vector<1x1xf32>
      %add3A_26 = arith.addf %broadcast_in_dim3A_19, %log3A : vector<1x1xf32>
      %sub3A_27 = vector.broadcast %add3A_26 : vector<1x1xf32> to vector<4x25000xf32>
      %sub3A_28 = arith.subf %add3A, %sub3A_27 : vector<4x25000xf32>
      %swap3A = arith.constant 0 : index
      %swap3A_29 = arith.constant 0 : index
      %swap3A_30 = vector.load %arg6[%swap3A, %swap3A_29] : memref<4x25000xf32, #tpu.memory_space<vmem>>, vector<4x25000xf32>
      tpu.vector_store %arg6[%swap3A, %swap3A_29], %sub3A_28 {strides = array<i32>} : memref<4x25000xf32, #tpu.memory_space<vmem>>, vector<4x25000xf32>,
    } else {
    }
    return
  }
  func.func @transform_0(%arg0: i32) -> (i32, i32) {
    %c0_i32 = arith.constant 0 : i32
    %c0_i32_0 = arith.constant 0 : i32
    %c0_i32_1 = arith.constant 0 : i32
    return %c0_i32, %c0_i32_0 : i32, i32
  }
  func.func @transform_1(%arg0: i32) -> (i32, i32) {
    %c0_i32 = arith.constant 0 : i32
    %c0_i32_0 = arith.constant 0 : i32
    %c0_i32_1 = arith.constant 0 : i32
    return %c0_i32, %c0_i32_0 : i32, i32
  }
  func.func @transform_2(%arg0: i32) -> (i32, i32) {
    %c0_i32 = arith.constant 0 : i32
    %c0_i32_0 = arith.constant 0 : i32
    %c0_i32_1 = arith.constant 0 : i32
    return %c0_i32, %c0_i32_0 : i32, i32
  }
  func.func @transform_3(%arg0: i32) -> (i32, i32) {
    %min3A = arith.constant 3 : i32
    %min3A_0 = arith.minsi %arg0, %min3A : i32
    %c0_i32 = arith.constant 0 : i32
    %c0_i32_1 = arith.constant 0 : i32
    return %min3A_0, %c0_i32 : i32, i32
  }
  func.func @transform_4(%arg0: i32) -> (i32, i32) {
    %c0_i32 = arith.constant 0 : i32
    %c0_i32_0 = arith.constant 0 : i32
    %c0_i32_1 = arith.constant 0 : i32
    return %c0_i32, %c0_i32_0 : i32, i32
  }
  func.func @transform_5(%arg0: i32) -> (i32, i32) {
    %c0_i32 = arith.constant 0 : i32
    %c0_i32_0 = arith.constant 0 : i32
    %c0_i32_1 = arith.constant 0 : i32
    return %c0_i32, %c0_i32_0 : i32, i32
  }
}

</mosaic_0001>

<sc_bundles>
// kernel: kernel.4.cloned.1.call-start
scs
__scs_entry_jumppad:
0x0: {  	(pc) =	sbr.rel $0x88, $3  }
0x1: {  	(tag) =	ssettag $0x0;
	lr =	simm.s32 $0x1  }
0x2: {  	[smem:$0x3F9B] =	sst lr;
	_ =	strace $0xD0000000  }
0x3: {  	_ = 	snop  }
0x4: {  	_ = 	snop  }
0x5: {  	_ = 	snop  }
0x6: {  	_ = 	snop  }
0x7: {  	_ = 	snop  }
__scs_overlays_trampoline_lowered:
0x8: {  	[smem:$0x3FAA] =	sst s0  }
0x9: {  	[smem:$0x3FAB] =	sst s1  }
0xa: {  	[smem:$0x3FAC] =	sst s2  }
0xb: {  	[smem:$0x3FAD] =	sst s3  }
0xc: {  	[smem:$0x3FAE] =	sst s4  }
0xd: {  	[smem:$0x3FAF] =	sst s5  }
0xe: {  	[smem:$0x3FB0] =	sst s6  }
0xf: {  	[smem:$0x3FB1] =	sst s7  }
0x10: {  	[smem:$0x3FB2] =	sst s8  }
0x11: {  	[smem:$0x3FB3] =	sst s9;
	s0 =	simm.s32 @!p0 $0x0  }
0x12: {  	s1 =	sld [smem:$0x3F99];
	s0 =	simm.s32 @p0 $0x1  }
0x13: {  	[smem:$0x3FB4] =	sst s0;
	s0 =	simm.s32 @!p1 $0x0  }
0x14: {  	s2 =	sld [smem:$0x3F98];
	s0 =	simm.s32 @p1 $0x1  }
0x15: {  	[smem:$0x3FB5] =	sst s0;
	s0 =	simm.s32 @!p2 $0x0  }
0x16: {  	s3 =	sld [smem:$0x3FDB];
	s0 =	simm.s32 @p2 $0x1  }
0x17: {  	s4 =	simm.s32 $0x1BF5;
	[smem:$0x3FB7] =	sst s0  }
0x18: {  	s0 =	sld [smem:$0x3F9A];
	_ =	swait.ge [sflag:s4], $0x0  }
0x19: {  	s7 =	sld [smem:$0x3F9B]  }
0x1a: {  	s8 =	sadd.s32 $0xFFFFE003, lr  }
0x1b: {  	s9 =	sadd.s32 $0xFFFFFEF7, lr;
	s5 =	simm.s32 $0xFFFFFFFF;
	p2 =	slt.u32 s8, $0xFFFFF086  }
0x1c: {  	p1 =	slt.u32 s9, $0xF7A;
	s5 =	simm.s32 @!p2 $0x0  }
0x1d: {  	s5 =	simm.s32 @p1 $0x1;
	p0 =	seq.s32 s7, s2  }
0x1e: {  	s7 =	smul.u32 @!p0 $0xF7A, s2;
	p2 =	seq.s32 @!p0 s5, $0x0  }
0x1f: {  	s9 =	smul.u32 $0xF7A, s1;
	s8 =	simm.s32 @!p0 $0x1BF5;
	p2 =	por !p2, p0  }
0x20: {  	[sflag:s8] =	ssyncset.s32 @!p0 $0xFFFFF086;
	s6 =	sadd.s32 @!p0 s3, s7;
	s7 =	simm.s32 @!p0 $0x108  }
0x21: {  	s3 =	sadd.s32 s3, s9;
	s6 =	sadd.s32 @!p0 $0x88, s6;
	s7 =	simm.s32 @p2 $0x1082  }
0x22: {  	[simem:s7], [sflag:s8] =	dma.local @!p0 [hbm:s6], $0xF7A  }
0x23: {  	s9 =	sor.u32 $0xD0000000, s2;
	s6 =	simm.s32 $0x108;
	_ =	swait.ge @!p0 [sflag:s8], $0x0  }
0x24: {  	s3 =	sadd.s32 $0x88, s3;
	s6 =	simm.s32 @!p1 $0x1082;
	[sflag:s4] =	ssyncset.s32 $0xFFFFF086  }
0x25: {  	[simem:s6], [sflag:s4] =	dma.local [hbm:s3], $0xF7A  }
0x26: {  	[smem:$0x3F9B] =	sst s1;
	(tag) =	ssettag s2;
	_ =	strace s9  }
0x27: {  	s1 =	sld [smem:$0x3FAB]  }
0x28: {  	s2 =	sld [smem:$0x3FAC]  }
0x29: {  	s4 =	sld [smem:$0x3FAE]  }
0x2a: {  	p0 =	seq.s32 s5, $0x0;
	s5 =	sld [smem:$0x3FAF]  }
0x2b: {  	s6 =	sld [smem:$0x3FB0]  }
0x2c: {  	s7 =	sld [smem:$0x3FB1]  }
0x2d: {  	s3 =	simm.s32 $0x108;
	s8 =	sld [smem:$0x3FB2]  }
0x2e: {  	s3 =	simm.s32 @!p0 $0x1082;
	s9 =	sld [smem:$0x3FB3]  }
0x2f: {  	lr =	sadd.s32 s0, s3;
	s0 =	sld [smem:$0x3FAA]  }
0x30: {  	s3 =	sld [smem:$0x3FAD]  }
0x31: {  	[smem:$0x3FB6] =	sst s10  }
0x32: {  	s10 =	sld [smem:$0x3FB4];
	_ =	sdelay $0x3  }
0x33: {  	p0 =	seq.s32 s10, $0x1;
	s10 =	sld [smem:$0x3FB6];
	_ =	sdelay $0x3  }
0x34: {  	[smem:$0x3FB6] =	sst s10  }
0x35: {  	s10 =	sld [smem:$0x3FB5];
	_ =	sdelay $0x3  }
0x36: {  	p1 =	seq.s32 s10, $0x1;
	s10 =	sld [smem:$0x3FB6];
	_ =	sdelay $0x3  }
0x37: {  	[smem:$0x3FB6] =	sst s10  }
0x38: {  	s10 =	sld [smem:$0x3FB7]  }
0x39: {  	_ = 	snop;
	(pc) =	sbr.ind lr, $3  }
0x3a: {  	_ = 	snop  }
0x3b: {  	_ = 	snop  }
0x3c: {  	p2 =	seq.s32 s10, $0x1;
	s10 =	sld [smem:$0x3FB6]  }
0x3d: {  	_ =	shalt  }
0x3e: {  	_ =	shalt  }
0x3f: {  	_ =	shalt  }
0x40: {  	_ =	shalt  }
0x41: {  	_ =	shalt  }
0x42: {  	_ =	shalt  }
0x43: {  	_ =	shalt  }
0x44: {  	_ =	shalt  }
0x45: {  	_ =	shalt  }
0x46: {  	_ =	shalt  }
0x47: {  	_ =	shalt  }
0x48: {  	_ =	shalt  }
0x49: {  	_ =	shalt  }
0x4a: {  	_ =	shalt  }
0x4b: {  	_ =	shalt  }
0x4c: {  	_ =	shalt  }
0x4d: {  	_ =	shalt  }
0x4e: {  	_ =	shalt  }
0x4f: {  	_ =	shalt  }
0x50: {  	_ =	shalt  }
0x51: {  	_ =	shalt  }
0x52: {  	_ =	shalt  }
0x53: {  	_ =	shalt  }
0x54: {  	_ =	shalt  }
0x55: {  	_ =	shalt  }
0x56: {  	_ =	shalt  }
0x57: {  	_ =	shalt  }
0x58: {  	_ =	shalt  }
0x59: {  	_ =	shalt  }
0x5a: {  	_ =	shalt  }
0x5b: {  	_ =	shalt  }
0x5c: {  	_ =	shalt  }
0x5d: {  	_ =	shalt  }
0x5e: {  	_ =	shalt  }
0x5f: {  	_ =	shalt  }
0x60: {  	_ =	shalt  }
0x61: {  	_ =	shalt  }
0x62: {  	_ =	shalt  }
0x63: {  	_ =	shalt  }
0x64: {  	_ =	shalt  }
0x65: {  	_ =	shalt  }
0x66: {  	_ =	shalt  }
0x67: {  	_ =	shalt  }
0x68: {  	_ =	shalt  }
0x69: {  	_ =	shalt  }
0x6a: {  	_ =	shalt  }
0x6b: {  	_ =	shalt  }
0x6c: {  	_ =	shalt  }
0x6d: {  	_ =	shalt  }
0x6e: {  	_ =	shalt  }
0x6f: {  	_ =	shalt  }
0x70: {  	_ =	shalt  }
0x71: {  	_ =	shalt  }
0x72: {  	_ =	shalt  }
0x73: {  	_ =	shalt  }
0x74: {  	_ =	shalt  }
0x75: {  	_ =	shalt  }
0x76: {  	_ =	shalt  }
0x77: {  	_ =	shalt  }
0x78: {  	_ =	shalt  }
0x79: {  	_ =	shalt  }
0x7a: {  	_ =	shalt  }
0x7b: {  	_ =	shalt  }
0x7c: {  	_ =	shalt  }
0x7d: {  	_ =	shalt  }
0x7e: {  	_ =	shalt  }
0x7f: {  	_ =	shalt  }
0x80: {  	_ =	shalt  }
0x81: {  	_ =	shalt  }
0x82: {  	_ =	shalt  }
0x83: {  	_ =	shalt  }
0x84: {  	_ =	shalt  }
0x85: {  	_ =	shalt  }
0x86: {  	_ =	shalt  }
0x87: {  	_ =	shalt  }
.Lfunc_end0:
.L_simem_size_0:
called_computation_lowered:
.L_overlay_start_0:
0x88: {  	s2 =	sld [smem:$0x3FD9]  }
0x89: {  	s3 =	sld [smem:$0x3FFE];
	_ =	sdelay $0x1  }
0x8a: {  	s1 =	srdreg.scid  }
0x8b: {  	s0 =	sand.u32 $0x1, s1  }
0x8c: {  	s17 =	sshll.u32 s0, $0xA;
	s2 =	sadd.s32 s3, s2  }
0x8d: {  	s2 =	sadd.s32 s2, s17  }
0x8e: {  	[smem:$0x3FC2] =	sst s2  }
0x8f: {  	_ = 	snop  }
0x90: {  	s2 =	sld [smem:$0x3FC9]  }
0x91: {  	s18 =	sld [smem:$0x3FC8]  }
0x92: {  	s4 =	sld [smem:$0x3FC4]  }
0x93: {  	s5 =	sld [smem:$0x3FD0];
	(tm) =	ssettm $0x1  }
0x94: {  	s6 =	sld [smem:$0x3FFB];
	_ =	sdelay $0x3  }
0x95: {  	_ =	strace s6  }
0x96: {  	s6 =	sld [smem:$0x3FFC];
	_ =	sdelay $0x3  }
0x97: {  	_ =	strace s6  }
0x98: {  	s6 =	sld [smem:$0x3FFD];
	_ =	sdelay $0x3  }
0x99: {  	_ =	strace s6  }
0x9a: {  	_ =	strace $0x8FFFFFFF  }
0x9b: {  	s19 =	sld [smem:$0x3FDB];
	_ =	sdelay $0x1  }
0x9c: {  	s7 =	simm.s32 $_scs_section_size  }
0x9d: {  	s8 =	simm.s32 $_size__tile_overlayer_lowered;
	s9 =	simm.s32 $_tile_overlayer_lowered  }
0x9e: {  	s22 =	simm.s32 $0x1BFF;
	s21 =	sshll.u32 s9, $0x1;
	s6 =	sadd.s32 s7, s19  }
0x9f: {  	s10 =	simm.s32 $0x0;
	s20 =	sshll.u32 s8, $0x1;
	s8 =	sadd.s32 s21, s6  }
0xa0: {  	[timem:s10], [sflag:s22] =	dma.local [hbm:s8], s20  }
0xa1: {  	_ =	swait.ge [sflag:s22], s20  }
0xa2: {  	s7 =	ssub.s32 $0x0, s20;
	[sflag:s22] =	ssyncset.done $0x0  }
0xa3: {  	[sflag:s22] =	ssyncadd.s32 s7;
	_ =	sdelay $0x1  }
0xa4: {  	s23 =	simm.s32 $0x1B8B  }
0xa5: {  	_ =	swait.ge [sflag:s23], $0x1  }
0xa6: {  	[sflag:s23] =	ssyncset.done $0x0  }
0xa7: {  	s25 =	simm.s32 $0x1B8E;
	s24 =	sld [smem:$0x3FFE];
	[sflag:s23] =	ssyncadd.s32 $0xFFFFFFFF  }
0xa8: {  	s26 =	simm.s32 $execute0_lowered;
	[smem:$0x3FD2] =	sst s25  }
0xa9: {  	s8 =	sshll.u32 s26, $0x1;
	_ =	strace $0x80000046;
	[dreg:$0x1] =	wrdreg $0xFFFFFFFF  }
0xaa: {  	s28 =	simm.s32 $_size_execute0_lowered;
	s6 =	sadd.s32 s6, s8;
	[dreg:$0x0] =	wrdreg $0x0  }
0xab: {  	s8 =	sshll.u32 s28, $0x1;
	[dreg:$0x2] =	wrdreg s6  }
0xac: {  	[dreg:$0x3] =	wrdreg s8  }
0xad: {  	[dreg:$0x4] =	wrdreg $0xC0  }
0xae: {  	_ =	task [dreg:s10], $0x5FFFF  }
0xaf: {  	[dreg:$0x1] =	wrdreg $0xFFFFFFFF  }
0xb0: {  	[dreg:$0x0] =	wrdreg $0x60  }
0xb1: {  	[dreg:$0x2] =	wrdreg s2  }
0xb2: {  	[dreg:$0x3] =	wrdreg s18  }
0xb3: {  	[dreg:$0x4] =	wrdreg s4  }
0xb4: {  	[dreg:$0x5] =	wrdreg s5  }
0xb5: {  	[dreg:$0x6] =	wrdreg s24  }
0xb6: {  	[dreg:$0x7] =	wrdreg $0x9  }
0xb7: {  	_ =	task.clear_ibuf [dreg:s10], $0x8FFFF;
	_ =	strace $0x90000046  }
0xb8: {  	s29 =	simm.s32 $0x9;
	_ =	strace $0x80000048  }
0xb9: {  	_ =	swait.ge [sflag:s29], $0x1  }
0xba: {  	[sflag:s29] =	ssyncadd.s32 $0xFFFFFFFF  }
0xbb: {  	_ =	strace $0x90000048  }
0xbc: {  	_ =	sfence  }
0xbd: {  	s30 =	sld [smem:$0x0];
	_ =	sdelay $0x2  }
0xbe: {  	s31 =	sshll.u32 s1, $0xD;
	s1 =	sshrl.u32 s1, $0x2  }
0xbf: {  	s3 =	sand.u32 $0x4000, s31;
	s1 =	sadd.s32 s1, s30  }
0xc0: {  	s0 =	sor.u32 s3, s0;
	s1 =	sshll.u32 s1, $0x11  }
0xc1: {  	s0 =	sor.u32 s1, s0  }
0xc2: {  	s0 =	sadd.s32 $0x8F2B, s0  }
0xc3: {  	[sflag:s0] =	ssyncadd.remote.s32 $0x1  }
0xc4: {  	_ =	sfence.sel $0xFFFF  }
0xc5: {  	[dreg:$0x0] =	wrdreg $0xFFFFFFFF;
	(pc) =	sbr.abs _section_cstart, $3  }
0xc6: {  	[dreg:$0x1] =	wrdreg $0xFFFFFFFF  }
0xc7: {  	_ =	task.clear_ibuf [dreg:s10], $0x2FFFF;
	_ =	strace $0x9FFFFFFF  }
0xc8: {  	(tm) =	ssettm $0x7FFFFFFF  }
0xc9: {  	_ =	shalt  }
tec
execute0_lowered:
.L_overlay_start_1:
0x0: {  	(tag) =	ssettag $0x1  }
0x1: {  	s6 =	rddreg [dreg:$0x0]  }
0x2: {  	s1 =	rddreg [dreg:$0x1]  }
0x3: {  	s4 =	rddreg [dreg:$0x2]  }
0x4: {  	s7 =	rddreg [dreg:$0x3]  }
0x5: {  	s2 =	srdreg.scid;
	s0 =	stileid.u32  }
0x6: {  	s5 =	rddreg [dreg:$0x4];
	s3 =	simm.s32 $0x0;
	s14 =	simm.s32 $0x0  }
0x7: {  	s8 =	sand.u32 $0x1, s2;
	s9 =	sshll.u32 s0, $0x1;
	s2 =	rddreg [dreg:$0x5]  }
0x8: {  	[smem:$0x7FF] =	sst s3;
	s29 =	sshll.u32 s0, $0x4;
	p0 =	slt.u32 s0, $0xE  }
0x9: {  	s10 =	sor.u32 s8, s9;
	_ =	strace $0x80000047;
	s12 =	ssub.s32 $0x2, s8  }
0xa: {  	s8 =	sshll.u32 s8, $0x3;
	s9 =	smul.u32 $0x61A8, s10;
	s11 =	sshll.u32 s10, $0x4  }
0xb: {  	s13 =	sshrl.u32 s12, $0x1;
	s28 =	sshll.u32 s10, $0x3;
	s30 =	sshll.u32 s10, $0x6  }
0xc: {  	s8 =	sor.u32 s8, s29;
	p1 =	sgt.u32 s10, $0x18;
	s10 =	simm.s32 $0x2  }
0xd: {  	s11 =	sand.u32 $0x30, s11;
	s26 =	ssub.s32 s12, s13;
	s7 =	sadd.s32 s7, s30  }
.Ltmp0:
0xe: {  	s31 =	smax.u32 s8, $0xB8;
	s9 =	sadd.s32 $0xFFF551A0, s9;
	(pc) =	sbr.rel .LBB2_1-.Ltmp0, $4  }
0xf: {  	v0 =	vlaneseq.u32;
	s12 =	simm.s32 $0x80;
	s13 =	simm.s32 $0x10080;
	s9 =	sshrl.u32 s9, $0x3  }
0x10: {  	v0 =	vmul.u32 $0x80, v0;
	s5 =	sadd.s32 s11, s5;
	s4 =	sadd.s32 s4, s9;
	s9 =	smin.u32 s28, $0xB8  }
0x11: {  	s8 =	smax.u32 s26, $0x1;
	s11 =	simm.s32 $0x1;
	s9 =	sshrl.u32 s9, $0x3  }
0x12: {  	v1 =	vor.u32 $0x800, v0;
	v2 =	vor.u32 $0x1000, v0;
	v3 =	vor.u32 $0x1800, v0;
	s5 =	sadd.s32 $0x1000, s5;
	s6 =	sadd.s32 s6, s9;
	s9 =	sadd.s32 $0xFFFFFF48, s31  }
.LBB2_6:
0x13: {  	_ =	sdelay $0x2  }
0x14: {  	[tilespmem:s15+$0x10] =	vst v5  }
0x15: {  	v4 =	vld.idx.msk [tilespmem:v4+s3+$0x0], $0xffff;
	_ =	sdelay $0x4  }
0x16: {  	(v2sf) =	vpush v4, $0x0;
	_ =	sdelay $0xe  }
0x17: {  	s17 =	spop (v2sf)  }
0x18: {  	s16 =	sshll.u32 s16, $0xD;
	s17 =	sand.u32 $0x7F, s17  }
0x19: {  	s16 =	sor.u32 s16, s17  }
0x1a: {  	v4 =	vor.u32 s16, v0;
	_ =	sdelay $0x4  }
0x1b: {  	v4 =	vld.idx.msk [tilespmem:v4+s12+$0x0], $0xffff  }
0x1c: {  	v5 =	vor.u32 s16, v1;
	_ =	sdelay $0x2  }
0x1d: {  	s31 =	sadd.s32 $0x40, s15  }
0x1e: {  	[tilespmem:s31+$0xFFFFFFE0] =	vst v4  }
0x1f: {  	v4 =	vld.idx.msk [tilespmem:v5+s12+$0x0], $0xffff  }
0x20: {  	v5 =	vor.u32 s16, v2;
	_ =	sdelay $0x3  }
0x21: {  	[tilespmem:s31+$0xFFFFFFF0] =	vst v4  }
0x22: {  	v4 =	vld.idx.msk [tilespmem:v5+s12+$0x0], $0xffff  }
0x23: {  	v5 =	vor.u32 s16, v3;
	_ =	sdelay $0x3  }
0x24: {  	[tilespmem:s31+$0x0] =	vst v4  }
0x25: {  	v4 =	vld.idx.msk [tilespmem:v5+s12+$0x0], $0xffff;
	_ =	sdelay $0x4  }
0x26: {  	[tilespmem:s31+$0x10] =	vst v4  }
0x27: {  	[hbm4b:s7+s3] =	stream.linear.scatter [tilespmem:s13], [sflag:$0x2], $0x200, $0x38;
	[tilespmem:$0x16480] =	vst v63  }
0x28: {  	_ =	swait.ge [sflag:s10], $0x200  }
0x29: {  	[sflag:s10] =	ssyncset.done $0x0  }
0x2a: {  	[sflag:s10] =	ssyncadd.s32 $0xFFFFFE00  }
.LBB2_7:
0x2b: {  	s14 =	sadd.s32 $0x1, s14  }
0x2c: {  	p2 =	sne.s32 s14, s8  }
.Ltmp1:
0x2d: {  	_ = 	snop;
	(pc) =	sbr.rel @!p2 .LBB2_8-.Ltmp1, $1  }
0x2e: {  	_ =	sdelay $0x3  }
.LBB2_1:
0x2f: {  	s15 =	simm.s32 @!p0 $0x0;
	s16 =	simm.s32 @!p0 $0x10280  }
0x30: {  	[tilespmem:s16], [sflag:$0x2] =	stream.linear.gather @!p0 [hbm4b:s4+s15], $0x61A8, $0x38;
	[tilespmem:$0x16480] =	vst v63  }
0x31: {  	s15 =	simm.s32 @!p0 $0x2  }
0x32: {  	_ =	swait.ge @!p0 [sflag:s15], $0x61A8  }
0x33: {  	s17 =	simm.s32 @!p0 $0x80;
	[sflag:s15] =	ssyncset.done @!p0 $0x0  }
.Ltmp2:
0x34: {  	s18 =	simm.s32 @!p0 $0x200;
	[sflag:s15] =	ssyncadd.s32 @!p0 $0xFFFF9E58;
	(pc) =	sbr.rel @p1 .LBB2_7-.Ltmp2, $4  }
0x35: {  	[hbm4b:s5+s17] =	stream.strided.scatter @!p0 [tilespmem:s16], [sflag:$0x2], $0x6200, s18, s17, $0x38;
	[tilespmem:$0x16480] =	vst v63  }
0x36: {  	_ =	swait.ge @!p0 [sflag:s15], $0x6200  }
0x37: {  	[sflag:s15] =	ssyncset.done @!p0 $0x0  }
0x38: {  	[sflag:s15] =	ssyncadd.s32 @!p0 $0xFFFF9E00  }
0x39: {  	s15 =	simm.s32 $0x0;
	v4 =	vmov s9  }
0x3a: {  	[tilespmem:s15], [sflag:$0x2] =	stream.linear.gather [hbm4b:s6+s15], $0x10, $0x38;
	[tilespmem:$0x16480] =	vst v63  }
0x3b: {  	_ =	swait.ge [sflag:s10], $0x10  }
0x3c: {  	[sflag:s10] =	ssyncset.done $0x0  }
0x3d: {  	[sflag:s10] =	ssyncadd.s32 $0xFFFFFFF0  }
0x3e: {  	v4 =	vld.idx.msk [tilespmem:v4+s3+$0x0], $0xffff;
	_ =	sdelay $0x4  }
0x3f: {  	(v2sf) =	vpush v4, $0x0;
	_ =	sdelay $0xe  }
0x40: {  	s17 =	simm.s32 $0x8000;
	s16 =	spop (v2sf)  }
0x41: {  	s20 =	simm.s32 $0x1;
	s21 =	simm.s32 $0x480;
	s19 =	sand.u32 $0x7F, s16  }
0x42: {  	s18 =	sshra.s32 s16, $0x1F;
	p2 =	slt.s32 s16, $0x1;
	p3 =	sne.s32 s19, $0x0  }
0x43: {  	s22 =	simm.s32 $0xC80;
	s18 =	sshrl.u32 s18, $0x19;
	p2 =	por !p2, !p3  }
0x44: {  	s23 =	simm.s32 $0x1080;
	s18 =	sadd.s32 s18, s16;
	p2 =	por !p2, !p2  }
0x45: {  	s24 =	simm.s32 $0x80;
	s29 =	sshrl.u32 s18, $0x7;
	s20 =	simm.s32 @!p2 $0x0  }
0x46: {  	s25 =	simm.s32 $0x880;
	s15 =	simm.s32 $0x10000;
	s19 =	ssub.s32 s29, s20  }
0x47: {  	s16 =	sadd.s32 $0x1, s9;
	s18 =	simm.s32 $0x0;
	s19 =	sshll.u32 s19, $0xA  }
0x48: {  	s20 =	simm.s32 $0x1480;
	s26 =	sshrl.u32 s19, $0x3;
	s28 =	sadd.s32 $0xC3800, s19  }
0x49: {  	s29 =	sadd.s32 $0x187000, s19;
	s30 =	sadd.s32 $0x24A800, s19;
	s26 =	sadd.s32 s1, s26  }
0x4a: {  	s28 =	sshrl.u32 s28, $0x3;
	s31 =	sshrl.u32 s29, $0x3;
	s29 =	sshrl.u32 s30, $0x3  }
0x4b: {  	[tilespmem:s24], [sflag:$0x1] =	stream.linear.gather [hbm4b:s26+s3], $0x400, $0x38;
	[tilespmem:$0x16480] =	vst v63  }
0x4c: {  	s28 =	sadd.s32 s1, s28;
	s30 =	sadd.s32 s1, s31;
	s31 =	sadd.s32 $0x30E000, s19  }
0x4d: {  	[tilespmem:s21], [sflag:$0x1] =	stream.linear.gather [hbm4b:s28+s3], $0x400, $0x38;
	[tilespmem:$0x16480] =	vst v63  }
0x4e: {  	s26 =	sshrl.u32 s31, $0x3;
	s31 =	sadd.s32 $0x495000, s19;
	s21 =	sadd.s32 s1, s29  }
0x4f: {  	[tilespmem:s25], [sflag:$0x1] =	stream.linear.gather [hbm4b:s30+s3], $0x400, $0x38;
	[tilespmem:$0x16480] =	vst v63  }
0x50: {  	s28 =	sadd.s32 $0x3D1800, s19;
	s29 =	sadd.s32 s1, s26;
	s24 =	sshrl.u32 s31, $0x3  }
0x51: {  	[tilespmem:s22], [sflag:$0x1] =	stream.linear.gather [hbm4b:s21+s3], $0x400, $0x38;
	[tilespmem:$0x16480] =	vst v63  }
0x52: {  	s19 =	sadd.s32 $0x558800, s19;
	s24 =	sadd.s32 s1, s24;
	s30 =	sshrl.u32 s28, $0x3  }
0x53: {  	[tilespmem:s23], [sflag:$0x1] =	stream.linear.gather [hbm4b:s29+s3], $0x400, $0x38;
	[tilespmem:$0x16480] =	vst v63  }
0x54: {  	v4 =	vmov s16;
	s22 =	sadd.s32 s1, s30;
	s21 =	sshrl.u32 s19, $0x3;
	s23 =	simm.s32 $0x1880  }
.LBB2_3:
0x55: {  	[tilespmem:s20], [sflag:$0x1] =	stream.linear.gather [hbm4b:s22+s3], $0x400, $0x38;
	[tilespmem:$0x16480] =	vst v63  }
0x56: {  	p2 =	sne.s32 s15, $0x38000;
	s18 =	sadd.s32 $0x1C80, s18;
	s20 =	sadd.s32 s1, s21  }
0x57: {  	[tilespmem:s23], [sflag:$0x1] =	stream.linear.gather [hbm4b:s24+s3], $0x400, $0x38;
	[tilespmem:$0x16480] =	vst v63  }
0x58: {  	s19 =	smov.u32 s15;
	s15 =	sadd.s32 $0x8000, s15  }
0x59: {  	[tilespmem:s18], [sflag:$0x1] =	stream.linear.gather [hbm4b:s20+s3], $0x400, $0x38;
	[tilespmem:$0x16480] =	vst v63  }
0x5a: {  	v4 =	vld.idx.msk [tilespmem:v4+s3+$0x0], $0xffff;
	_ =	sdelay $0x5  }
0x5b: {  	(v2sf) =	vpush v4, $0x0;
	_ =	sdelay $0xe  }
0x5c: {  	s18 =	spop (v2sf)  }
0x5d: {  	s20 =	sshra.s32 s18, $0x1F  }
0x5e: {  	p3 =	slt.s32 s18, $0x1;
	s21 =	sand.u32 $0x7F, s18;
	s20 =	sshrl.u32 s20, $0x19  }
0x5f: {  	p4 =	sne.s32 s21, $0x0;
	s18 =	sadd.s32 s20, s18  }
0x60: {  	s16 =	sadd.s32 $0x1, s16;
	p3 =	por !p3, !p4;
	s20 =	sshrl.u32 s18, $0x7  }
0x61: {  	p3 =	por !p3, !p3;
	s18 =	sshra.s32 s17, $0x2;
	s17 =	simm.s32 $0x1  }
0x62: {  	s17 =	simm.s32 @!p3 $0x0;
	s21 =	sadd.s32 $0x480, s18;
	s22 =	sadd.s32 $0xC80, s18  }
0x63: {  	s23 =	sadd.s32 $0x1080, s18;
	s17 =	ssub.s32 s20, s17;
	s20 =	sadd.s32 $0x1480, s18  }
0x64: {  	s24 =	sadd.s32 $0x80, s18;
	s25 =	sadd.s32 $0x880, s18;
	s17 =	sshll.u32 s17, $0xA  }
0x65: {  	s26 =	sshrl.u32 s17, $0x3;
	s28 =	sadd.s32 $0x24A800, s17;
	s29 =	sadd.s32 $0x558800, s17  }
0x66: {  	s30 =	sadd.s32 $0xC3800, s17;
	s31 =	sadd.s32 $0x187000, s17;
	s26 =	sadd.s32 s1, s26  }
0x67: {  	s30 =	sshrl.u32 s30, $0x3;
	s31 =	sshrl.u32 s31, $0x3;
	s28 =	sshrl.u32 s28, $0x3  }
0x68: {  	[tilespmem:s24], [sflag:$0x1] =	stream.linear.gather [hbm4b:s26+s3], $0x400, $0x38;
	[tilespmem:$0x16480] =	vst v63  }
0x69: {  	s24 =	sadd.s32 s1, s30;
	s26 =	sadd.s32 s1, s31;
	s30 =	sadd.s32 $0x30E000, s17  }
0x6a: {  	[tilespmem:s21], [sflag:$0x1] =	stream.linear.gather [hbm4b:s24+s3], $0x400, $0x38;
	[tilespmem:$0x16480] =	vst v63  }
0x6b: {  	s21 =	sadd.s32 s1, s28  }
0x6c: {  	s24 =	sshrl.u32 s30, $0x3;
	s28 =	sadd.s32 $0x3D1800, s17;
	s17 =	sadd.s32 $0x495000, s17  }
0x6d: {  	[tilespmem:s25], [sflag:$0x1] =	stream.linear.gather [hbm4b:s26+s3], $0x400, $0x38;
	[tilespmem:$0x16480] =	vst v63  }
.Ltmp3:
0x6e: {  	s24 =	sadd.s32 s1, s24;
	s25 =	sshrl.u32 s28, $0x3;
	(pc) =	sbr.rel @p2 .LBB2_3-.Ltmp3, $4  }
0x6f: {  	[tilespmem:s22], [sflag:$0x1] =	stream.linear.gather [hbm4b:s21+s3], $0x400, $0x38;
	[tilespmem:$0x16480] =	vst v63  }
0x70: {  	v4 =	vmov s16;
	s17 =	sshrl.u32 s17, $0x3;
	s22 =	sadd.s32 s1, s25;
	s21 =	sshrl.u32 s29, $0x3  }
0x71: {  	[tilespmem:s23], [sflag:$0x1] =	stream.linear.gather [hbm4b:s24+s3], $0x400, $0x38;
	[tilespmem:$0x16480] =	vst v63  }
0x72: {  	s23 =	sadd.s32 $0x1880, s18;
	s24 =	sadd.s32 s1, s17;
	s17 =	smov.u32 s19  }
0x73: {  	[tilespmem:s20], [sflag:$0x1] =	stream.linear.gather [hbm4b:s22+s3], $0x400, $0x38;
	[tilespmem:$0x16480] =	vst v63  }
0x74: {  	_ = 	snop  }
0x75: {  	[tilespmem:s23], [sflag:$0x1] =	stream.linear.gather [hbm4b:s24+s3], $0x400, $0x38;
	[tilespmem:$0x16480] =	vst v63  }
0x76: {  	s15 =	sadd.s32 $0x1C80, s18;
	s16 =	sadd.s32 s1, s21  }
0x77: {  	[tilespmem:s15], [sflag:$0x1] =	stream.linear.gather [hbm4b:s16+s3], $0x400, $0x38;
	[tilespmem:$0x16480] =	vst v63  }
0x78: {  	v4 =	vld.idx.msk [tilespmem:v4+s3+$0x0], $0xffff;
	_ =	sdelay $0x4  }
0x79: {  	(v2sf) =	vpush v4, $0x0;
	_ =	sdelay $0xe  }
0x7a: {  	s24 =	spop (v2sf)  }
0x7b: {  	s25 =	sshra.s32 s24, $0x1F;
	s26 =	sand.u32 $0x7F, s24  }
0x7c: {  	p2 =	slt.s32 s24, $0x1;
	s16 =	sshrl.u32 s25, $0x19;
	p3 =	sne.s32 s26, $0x0  }
0x7d: {  	s15 =	sadd.s32 s16, s24;
	p2 =	por !p2, !p3  }
0x7e: {  	s16 =	sshra.s32 s17, $0x2;
	s17 =	simm.s32 $0x1;
	p2 =	por !p2, !p2  }
0x7f: {  	s15 =	sshrl.u32 s15, $0x7;
	s28 =	sadd.s32 $0x480, s16;
	s17 =	simm.s32 @!p2 $0x0  }
0x80: {  	s19 =	sadd.s32 $0xC80, s16;
	s20 =	sadd.s32 $0x1480, s16;
	s15 =	ssub.s32 s15, s17  }
0x81: {  	s29 =	sadd.s32 $0x80, s16;
	s22 =	sadd.s32 $0x880, s16;
	s15 =	sshll.u32 s15, $0xA  }
0x82: {  	s17 =	sadd.s32 $0x1080, s16;
	s30 =	sshrl.u32 s15, $0x3;
	s31 =	sadd.s32 $0xC3800, s15  }
0x83: {  	s25 =	sadd.s32 $0x187000, s15;
	s23 =	sadd.s32 s1, s30;
	s24 =	sshrl.u32 s31, $0x3  }
0x84: {  	[tilespmem:s29], [sflag:$0x1] =	stream.linear.gather [hbm4b:s23+s3], $0x400, $0x38;
	[tilespmem:$0x16480] =	vst v63  }
0x85: {  	s25 =	sshrl.u32 s25, $0x3;
	s23 =	sadd.s32 $0x24A800, s15;
	s24 =	sadd.s32 s1, s24  }
0x86: {  	[tilespmem:s28], [sflag:$0x1] =	stream.linear.gather [hbm4b:s24+s3], $0x400, $0x38;
	[tilespmem:$0x16480] =	vst v63  }
0x87: {  	s29 =	sadd.s32 $0x30E000, s15;
	s26 =	sshrl.u32 s23, $0x3;
	s28 =	sadd.s32 s1, s25  }
0x88: {  	[tilespmem:s22], [sflag:$0x1] =	stream.linear.gather [hbm4b:s28+s3], $0x400, $0x38;
	[tilespmem:$0x16480] =	vst v63  }
0x89: {  	s31 =	sadd.s32 $0x3D1800, s15;
	s30 =	sshrl.u32 s29, $0x3;
	s18 =	sadd.s32 s1, s26  }
0x8a: {  	[tilespmem:s19], [sflag:$0x1] =	stream.linear.gather [hbm4b:s18+s3], $0x400, $0x38;
	[tilespmem:$0x16480] =	vst v63  }
0x8b: {  	s23 =	sadd.s32 $0x495000, s15;
	s21 =	sadd.s32 s1, s30;
	s22 =	sshrl.u32 s31, $0x3  }
0x8c: {  	[tilespmem:s17], [sflag:$0x1] =	stream.linear.gather [hbm4b:s21+s3], $0x400, $0x38;
	[tilespmem:$0x16480] =	vst v63  }
0x8d: {  	s15 =	sadd.s32 $0x558800, s15;
	s25 =	sshrl.u32 s23, $0x3;
	s24 =	sadd.s32 s1, s22  }
0x8e: {  	[tilespmem:s20], [sflag:$0x1] =	stream.linear.gather [hbm4b:s24+s3], $0x400, $0x38;
	[tilespmem:$0x16480] =	vst v63  }
0x8f: {  	s15 =	sshrl.u32 s15, $0x3;
	s26 =	sadd.s32 $0x1880, s16;
	s18 =	sadd.s32 s1, s25  }
0x90: {  	[tilespmem:s26], [sflag:$0x1] =	stream.linear.gather [hbm4b:s18+s3], $0x400, $0x38;
	[tilespmem:$0x16480] =	vst v63  }
0x91: {  	s16 =	sadd.s32 $0x1C80, s16;
	s15 =	sadd.s32 s1, s15  }
0x92: {  	[tilespmem:s16], [sflag:$0x1] =	stream.linear.gather [hbm4b:s15+s3], $0x400, $0x38;
	[tilespmem:$0x16480] =	vst v63  }
0x93: {  	_ =	swait.ge [sflag:s11], $0x2000  }
0x94: {  	[sflag:s11] =	ssyncset.done $0x0  }
0x95: {  	[sflag:s11] =	ssyncadd.s32 $0xFFFFE000  }
0x96: {  	_ =	swait.ge [sflag:s11], $0x2000  }
0x97: {  	[sflag:s11] =	ssyncset.done $0x0  }
0x98: {  	[sflag:s11] =	ssyncadd.s32 $0xFFFFE000  }
0x99: {  	_ =	swait.ge [sflag:s11], $0x2000  }
0x9a: {  	[sflag:s11] =	ssyncset.done $0x0  }
0x9b: {  	[sflag:s11] =	ssyncadd.s32 $0xFFFFE000  }
0x9c: {  	_ =	swait.ge [sflag:s11], $0x2000  }
0x9d: {  	[sflag:s11] =	ssyncset.done $0x0  }
0x9e: {  	[sflag:s11] =	ssyncadd.s32 $0xFFFFE000  }
0x9f: {  	_ =	swait.ge [sflag:s11], $0x2000  }
0xa0: {  	[sflag:s11] =	ssyncset.done $0x0  }
0xa1: {  	[sflag:s11] =	ssyncadd.s32 $0xFFFFE000  }
0xa2: {  	_ =	swait.ge [sflag:s11], $0x2000  }
0xa3: {  	[sflag:s11] =	ssyncset.done $0x0  }
0xa4: {  	[sflag:s11] =	ssyncadd.s32 $0xFFFFE000  }
0xa5: {  	s28 =	sadd.s32 $0x0, s9;
	_ =	swait.ge [sflag:s11], $0x2000  }
0xa6: {  	v4 =	vmov s28;
	[sflag:s11] =	ssyncset.done $0x0  }
0xa7: {  	[sflag:s11] =	ssyncadd.s32 $0xFFFFE000  }
0xa8: {  	_ =	swait.ge [sflag:s11], $0x2000  }
0xa9: {  	[sflag:s11] =	ssyncset.done $0x0  }
0xaa: {  	[sflag:s11] =	ssyncadd.s32 $0xFFFFE000  }
0xab: {  	v4 =	vld.idx.msk [tilespmem:v4+s3+$0x0], $0xffff;
	_ =	sdelay $0x4  }
0xac: {  	(v2sf) =	vpush v4, $0x0;
	_ =	sdelay $0xe  }
0xad: {  	s29 =	spop (v2sf)  }
0xae: {  	s30 =	simm.s32 $0x0;
	s15 =	sand.u32 $0x7F, s29  }
0xaf: {  	s16 =	sor.u32 s30, s15  }
0xb0: {  	v4 =	vor.u32 s16, v0;
	_ =	sdelay $0x4  }
0xb1: {  	v4 =	vld.idx.msk [tilespmem:v4+s12+$0x0], $0xffff  }
0xb2: {  	v5 =	vor.u32 s16, v1;
	_ =	sdelay $0x2  }
0xb3: {  	s15 =	simm.s32 $0x100A0  }
0xb4: {  	[tilespmem:s15+$0xFFFFFFE0] =	vst v4  }
0xb5: {  	v4 =	vld.idx.msk [tilespmem:v5+s12+$0x0], $0xffff  }
0xb6: {  	v5 =	vor.u32 s16, v2;
	_ =	sdelay $0x3  }
0xb7: {  	[tilespmem:s15+$0xFFFFFFF0] =	vst v4  }
0xb8: {  	v4 =	vld.idx.msk [tilespmem:v5+s12+$0x0], $0xffff  }
0xb9: {  	v5 =	vor.u32 s16, v3;
	_ =	sdelay $0x3  }
0xba: {  	[tilespmem:s15+$0x0] =	vst v4  }
0xbb: {  	s31 =	sadd.s32 $0x1, s9;
	v5 =	vld.idx.msk [tilespmem:v5+s12+$0x0], $0xffff  }
0xbc: {  	v4 =	vmov s31;
	_ =	sdelay $0x1  }
0xbd: {  	s17 =	simm.s32 $0x2;
	s16 =	simm.s32 $0x1  }
.LBB2_5:
0xbe: {  	p2 =	sne.s32 s17, $0x7  }
0xbf: {  	[tilespmem:s15+$0x10] =	vst v5;
	s15 =	sadd.s32 $0x40, s15;
	s18 =	smov.u32 s17;
	s17 =	sadd.s32 $0x1, s17  }
0xc0: {  	v4 =	vld.idx.msk [tilespmem:v4+s3+$0x0], $0xffff;
	_ =	sdelay $0x5  }
0xc1: {  	(v2sf) =	vpush v4, $0x0;
	_ =	sdelay $0xe  }
0xc2: {  	s19 =	spop (v2sf)  }
0xc3: {  	s20 =	sshll.u32 s16, $0xD;
	s16 =	smov.u32 s18;
	s19 =	sand.u32 $0x7F, s19  }
0xc4: {  	s18 =	sor.u32 s20, s19  }
0xc5: {  	v4 =	vor.u32 s18, v0;
	_ =	sdelay $0x4  }
0xc6: {  	v4 =	vld.idx.msk [tilespmem:v4+s12+$0x0], $0xffff;
	_ =	sdelay $0x1  }
0xc7: {  	v5 =	vor.u32 s18, v1;
	_ =	sdelay $0x3  }
0xc8: {  	[tilespmem:s15+$0xFFFFFFE0] =	vst v4  }
0xc9: {  	v4 =	vld.idx.msk [tilespmem:v5+s12+$0x0], $0xffff;
	_ =	sdelay $0x1  }
0xca: {  	v5 =	vor.u32 s18, v2;
	_ =	sdelay $0x3  }
0xcb: {  	[tilespmem:s15+$0xFFFFFFF0] =	vst v4  }
0xcc: {  	v4 =	vld.idx.msk [tilespmem:v5+s12+$0x0], $0xffff;
	_ =	sdelay $0x1  }
0xcd: {  	v5 =	vor.u32 s18, v3;
	_ =	sdelay $0x2  }
.Ltmp4:
0xce: {  	(pc) =	sbr.rel @p2 .LBB2_5-.Ltmp4, $4  }
0xcf: {  	[tilespmem:s15+$0x0] =	vst v4  }
0xd0: {  	v5 =	vld.idx.msk [tilespmem:v5+s12+$0x0], $0xffff  }
0xd1: {  	s18 =	sadd.s32 s16, s9  }
0xd2: {  	v4 =	vmov s18  }
.Ltmp5:
0xd3: {  	_ = 	snop;
	(pc) =	sbr.rel .LBB2_6-.Ltmp5, $1  }
0xd4: {  	_ =	sdelay $0x3  }
.LBB2_8:
0xd5: {  	_ =	sfence.sel $0x180000  }
0xd6: {  	[bflag:$0x0] =	sbarrier.arrive $0xFFFF  }
0xd7: {  	p0 =	sne.s32 s0, $0x0;
	_ =	strace $0x90000047  }
0xd8: {  	s0 =	sadd.s32 @!p0 $0x100000, s2;
	[bflag:$0x2] =	sbarrier.arrive $0xFFFF  }
0xd9: {  	[sflag:s0] =	ssyncadd.tile.s32 @!p0 $0x1;
	_ =	shalt  }
.Lfunc_end2:
_tile_overlayer_lowered:
.L_overlay_start_2:
0xda: {  	(tag) =	ssettag $0x2  }
0xdb: {  	s0 =	rddreg [dreg:$0x0];
	s2 =	stileid.u32  }
0xdc: {  	s1 =	rddreg [dreg:$0x1];
	p0 =	sne.s32 s2, $0x0  }
0xdd: {  	s3 =	rddreg [dreg:$0x2];
	[bflag:$0x3] =	sbarrier.arrive $0xFFFF;
	s2 =	simm.s32 @!p0 $0x1C02  }
0xde: {  	[timem:s3], [sflag:s2] =	dma.local @!p0 [hbm:s0], s1  }
0xdf: {  	s0 =	simm.s32 @!p0 $0x2  }
0xe0: {  	_ =	swait.ge @!p0 [sflag:s0], s1  }
0xe1: {  	s1 =	ssub.s32 @!p0 $0x0, s1;
	[sflag:s0] =	ssyncset.done @!p0 $0x0  }
0xe2: {  	[sflag:s0] =	ssyncadd.s32 @!p0 s1  }
0xe3: {  	[bflag:$0x3] =	sbarrier.arrive $0xFFFF  }
0xe4: {  	_ =	shalt  }

</sc_bundles>
